<compile_context>
chip_gen: v7x
topology: tpu7x:2x2x1
jax: 0.10.2.dev20260603
libtpu: 0.0.44.dev20260713+nightly
codegen_flags: <defaults>
</compile_context>

<pallas_src>
import functools

import jax
import jax.numpy as jnp
from jax import lax
from jax.experimental import pallas as pl
from jax.experimental.pallas import tpu as pltpu
from jax.experimental.pallas import tpu_sc as plsc


@functools.lru_cache(maxsize=None)
def _build(B, T, V, D):
    info = plsc.get_sparse_core_info()
    NC, NS = info.num_cores, info.num_subcores
    NW = NC * NS
    assert B % NW == 0
    bpw = B // NW
    CB = 2
    assert bpw % CB == 0
    nchunk = bpw // CB
    assert nchunk % 3 == 1 and D % 16 == 0
    CR = CB * T
    mesh = plsc.VectorSubcoreMesh(core_axis_name="c", subcore_axis_name="s")

    @functools.partial(
        pl.kernel,
        mesh=mesh,
        out_type=jax.ShapeDtypeStruct((B * T, D), jnp.float32),
        scratch_types=[
            pltpu.VMEM((bpw * T,), jnp.int32),
            pltpu.VMEM((T, D), jnp.float32),
            pltpu.VMEM((CR, D), jnp.float32),
            pltpu.VMEM((CR, D), jnp.float32),
            pltpu.VMEM((CR, D), jnp.float32),
            pltpu.SemaphoreType.DMA,
            pltpu.SemaphoreType.DMA,
            pltpu.SemaphoreType.DMA,
            pltpu.SemaphoreType.DMA,
            pltpu.SemaphoreType.DMA,
            pltpu.SemaphoreType.DMA,
        ],
        compiler_params=pltpu.CompilerParams(use_tc_tiling_on_sc=False),
    )
    def k(x_hbm, tok_hbm, pos_hbm, out_hbm,
          xw, pos_v, r0, r1, r2, g0, g1, g2, s0, s1, s2):
        rows, gs, ss = [r0, r1, r2], [g0, g1, g2], [s0, s1, s2]
        wid = lax.axis_index("s") * NC + lax.axis_index("c")
        base_r = wid * (bpw * T)
        pltpu.sync_copy(x_hbm.at[pl.ds(base_r, bpw * T)], xw)
        pltpu.sync_copy(pos_hbm, pos_v)

        def issue_gather(g, p):
            pltpu.async_copy(tok_hbm.at[xw.at[pl.ds(g * CR, CR)]],
                             rows[p], gs[p])

        def process(g, p):
            pltpu.make_async_copy(tok_hbm.at[xw.at[pl.ds(0, CR)]],
                                  rows[p], gs[p]).wait()

            def tbody(t, carry):
                pv = [pos_v[t, pl.ds(16 * c, 16)] for c in range(D // 16)]
                for j in range(CB):
                    for c in range(D // 16):
                        plsc.addupdate(
                            rows[p].at[j * T + t, pl.ds(16 * c, 16)], pv[c])
                return carry

            lax.fori_loop(0, T, tbody, 0)
            pltpu.async_copy(rows[p], out_hbm.at[pl.ds(base_r + g * CR, CR)],
                             ss[p])
            q = (p + 2) % 3

            @pl.when(g + 2 < nchunk)
            def _():
                @pl.when(g > 0)
                def _():
                    pltpu.make_async_copy(
                        rows[q], out_hbm.at[pl.ds(base_r, CR)], ss[q]).wait()
                issue_gather(g + 2, q)

        issue_gather(0, 0)
        issue_gather(1, 1)

        def body3(i, carry):
            for u in range(3):
                process(3 * i + u, u)
            return carry

        lax.fori_loop(0, nchunk // 3, body3, 0)
        process(nchunk - 1, 0)
        for p in (1, 2, 0):
            pltpu.make_async_copy(
                rows[p], out_hbm.at[pl.ds(base_r, CR)], ss[p]).wait()

    return k


def kernel(x, token_table, pos_table):
    B, T = x.shape
    V, D = token_table.shape
    xf = x.astype(jnp.int32).reshape(B * T)
    out = _build(B, T, V, D)(xf, token_table, pos_table)
    return out.reshape(B, T, D)

# --- scband reference (transcript-rebuilt; emitter-appended) ---
"""Pipeline reference for scband-token-and-position-embedding-87101936762880 (READ-ONLY COPY).

The authoritative reference and input builder live on the scoring server;
editing this copy changes nothing except your own understanding.
"""

import jax, jax.numpy as jnp
import numpy as np

MAXLEN = 200
VOCAB_SIZE = 100000
EMBED_DIM = 64
BATCH = 4096

def setup_inputs(seed: int = 0) -> dict:
    key = jax.random.key(seed)
    k1, k2, k3 = jax.random.split(key, 3)
    x = jax.random.randint(k1, (BATCH, MAXLEN), 0, VOCAB_SIZE, dtype=jnp.int64 if jax.config.jax_enable_x64 else jnp.int32)
    token_table = jax.random.normal(k2, (VOCAB_SIZE, EMBED_DIM), dtype=jnp.float32) * 0.05
    pos_table = jax.random.normal(k3, (MAXLEN, EMBED_DIM), dtype=jnp.float32) * 0.05
    return {"x": x, "token_table": token_table, "pos_table": pos_table}

def reference(x, token_table, pos_table):
    # positions = range(0, maxlen); pos_emb(positions)
    positions = jnp.arange(MAXLEN)
    pos = jnp.take(pos_table, positions, axis=0)  # [maxlen, embed_dim]
    # token embedding lookup
    tok = jnp.take(token_table, x, axis=0)  # [B, maxlen, embed_dim]
    return tok + pos[None, :, :]

if __name__ == "__main__":
    import jax
    _d = setup_inputs()
    print(jax.jit(kernel)(*tuple(_d.values())))

</pallas_src>

<mosaic_0001>
#map = affine_map<(d0, d1) -> (0)>
#map1 = affine_map<(d0, d1) -> (0, 0)>
module attributes {stable_mosaic.version = 14 : i64} {
  func.func @k(%arg0: i32, %arg1: i32, %arg2: memref<819200xi32, #tpu.memory_space<hbm>>, %arg3: memref<100000x64xf32, #tpu.memory_space<hbm>>, %arg4: memref<200x64xf32, #tpu.memory_space<hbm>>, %arg5: memref<819200x64xf32, #tpu.memory_space<hbm>>, %arg6: memref<25600xi32, #tpu.memory_space<vmem>>, %arg7: memref<200x64xf32, #tpu.memory_space<vmem>>, %arg8: memref<400x64xf32, #tpu.memory_space<vmem>>, %arg9: memref<400x64xf32, #tpu.memory_space<vmem>>, %arg10: memref<400x64xf32, #tpu.memory_space<vmem>>, %arg11: memref<!tpu.dma_semaphore, #tpu.memory_space<semaphore_mem>>, %arg12: memref<!tpu.dma_semaphore, #tpu.memory_space<semaphore_mem>>, %arg13: memref<!tpu.dma_semaphore, #tpu.memory_space<semaphore_mem>>, %arg14: memref<!tpu.dma_semaphore, #tpu.memory_space<semaphore_mem>>, %arg15: memref<!tpu.dma_semaphore, #tpu.memory_space<semaphore_mem>>, %arg16: memref<!tpu.dma_semaphore, #tpu.memory_space<semaphore_mem>>) attributes {dimension_semantics = [#tpu.dimension_semantics<core_parallel>, #tpu.dimension_semantics<subcore_parallel>], iteration_bounds = array<i64: 2, 16>, scalar_prefetch = 0 : i64, scratch_operands = 11 : i64, tpu.core_type = #tpu.core_type<sc_vector_subcore>, window_params = [{transform_indices = #map}, {transform_indices = #map1}, {transform_indices = #map1}, {transform_indices = #map1}]} {
    %mul3A = arith.constant 2 : i32
    %mul3A_0 = arith.muli %arg1, %mul3A : i32
    %add3A = arith.addi %mul3A_0, %arg0 : i32
    %mul3A_1 = arith.constant 25600 : i32
    %mul3A_2 = arith.muli %add3A, %mul3A_1 : i32
    "tpu.region"() ({
      %run_scoped3A = tpu.sem_alloc : memref<!tpu.dma_semaphore, #tpu.memory_space<semaphore_mem>>
      %dma_start3A_45 = tpu.memref_slice %arg2[%mul3A_2] : memref<819200xi32, #tpu.memory_space<hbm>> -> memref<25600xi32, #tpu.memory_space<hbm>>
      %dma_start3A_46 = tpu.memref_slice %arg2[%mul3A_2] : memref<819200xi32, #tpu.memory_space<hbm>> -> memref<25600xi32, #tpu.memory_space<hbm>>
      tpu.enqueue_dma source(%dma_start3A_46 : memref<25600xi32, #tpu.memory_space<hbm>>) target(%arg6 : memref<25600xi32, #tpu.memory_space<vmem>>) target_semaphore(%run_scoped3A : memref<!tpu.dma_semaphore, #tpu.memory_space<semaphore_mem>>)
      %dma_wait3A_47 = tpu.memref_slice %arg2[%mul3A_2] : memref<819200xi32, #tpu.memory_space<hbm>> -> memref<25600xi32, #tpu.memory_space<hbm>>
      %dma_wait3A_48 = tpu.memref_slice %arg2[%mul3A_2] : memref<819200xi32, #tpu.memory_space<hbm>> -> memref<25600xi32, #tpu.memory_space<hbm>>
      tpu.wait_dma2 semaphore(%run_scoped3A : memref<!tpu.dma_semaphore, #tpu.memory_space<semaphore_mem>>) src(%dma_wait3A_48 : memref<25600xi32, #tpu.memory_space<hbm>>) dst(%arg6 : memref<25600xi32, #tpu.memory_space<vmem>>)
      tpu.yield
    }) : () -> ()
    "tpu.region"() ({
      %run_scoped3A = tpu.sem_alloc : memref<!tpu.dma_semaphore, #tpu.memory_space<semaphore_mem>>
      tpu.enqueue_dma source(%arg4 : memref<200x64xf32, #tpu.memory_space<hbm>>) target(%arg7 : memref<200x64xf32, #tpu.memory_space<vmem>>) target_semaphore(%run_scoped3A : memref<!tpu.dma_semaphore, #tpu.memory_space<semaphore_mem>>)
      tpu.wait_dma2 semaphore(%run_scoped3A : memref<!tpu.dma_semaphore, #tpu.memory_space<semaphore_mem>>) src(%arg4 : memref<200x64xf32, #tpu.memory_space<hbm>>) dst(%arg7 : memref<200x64xf32, #tpu.memory_space<vmem>>)
      tpu.yield
    }) : () -> ()
    %dma_start3A = arith.constant 0 : i32
    %dma_start3A_3 = tpu.memref_slice %arg6[%dma_start3A] : memref<25600xi32, #tpu.memory_space<vmem>> -> memref<400xi32, #tpu.memory_space<vmem>>
    %dma_start3A_4 = arith.constant 0 : i32
    %dma_start3A_5 = arith.constant 0 : i32
    %dma_start3A_6 = tpu.memref_slice %arg3[%dma_start3A_4, %dma_start3A_5] : memref<100000x64xf32, #tpu.memory_space<hbm>> -> memref<100000x64xf32, #tpu.memory_space<hbm>>
    tpu.enqueue_indirect_dma source(%dma_start3A_6 : memref<100000x64xf32, #tpu.memory_space<hbm>>) target(%arg8 : memref<400x64xf32, #tpu.memory_space<vmem>>) offsets(%dma_start3A_3 : memref<400xi32, #tpu.memory_space<vmem>>) semaphore(%arg11 : memref<!tpu.dma_semaphore, #tpu.memory_space<semaphore_mem>>)
    %dma_start3A_7 = arith.constant 400 : i32
    %dma_start3A_8 = tpu.memref_slice %arg6[%dma_start3A_7] : memref<25600xi32, #tpu.memory_space<vmem>> -> memref<400xi32, #tpu.memory_space<vmem>>
    %dma_start3A_9 = arith.constant 0 : i32
    %dma_start3A_10 = arith.constant 0 : i32
    %dma_start3A_11 = tpu.memref_slice %arg3[%dma_start3A_9, %dma_start3A_10] : memref<100000x64xf32, #tpu.memory_space<hbm>> -> memref<100000x64xf32, #tpu.memory_space<hbm>>
    tpu.enqueue_indirect_dma source(%dma_start3A_11 : memref<100000x64xf32, #tpu.memory_space<hbm>>) target(%arg9 : memref<400x64xf32, #tpu.memory_space<vmem>>) offsets(%dma_start3A_8 : memref<400xi32, #tpu.memory_space<vmem>>) semaphore(%arg12 : memref<!tpu.dma_semaphore, #tpu.memory_space<semaphore_mem>>)
    %scan3A = arith.constant 0 : i32
    %scan3A_12 = arith.constant 0 : i32
    %scan3A_13 = arith.constant 21 : i32
    %scan3A_14 = arith.addi %scan3A_12, %scan3A_13 : i32
    %scan3A_15 = arith.constant 1 : i32
    scf.for %scan3A_45 = %scan3A_12 to %scan3A_14 step %scan3A_15  : i32 {
      %mul3A_46 = arith.constant 3 : i32
      %mul3A_47 = arith.muli %mul3A_46, %scan3A_45 : i32
      %add3A_48 = arith.constant 0 : i32
      %add3A_49 = arith.addi %mul3A_47, %add3A_48 : i32
      %dma_wait3A_50 = arith.constant 0 : i32
      %dma_wait3A_51 = tpu.memref_slice %arg6[%dma_wait3A_50] : memref<25600xi32, #tpu.memory_space<vmem>> -> memref<400xi32, #tpu.memory_space<vmem>>
      %dma_wait3A_52 = arith.constant 0 : i32
      %dma_wait3A_53 = arith.constant 0 : i32
      %dma_wait3A_54 = tpu.memref_slice %arg3[%dma_wait3A_52, %dma_wait3A_53] : memref<100000x64xf32, #tpu.memory_space<hbm>> -> memref<100000x64xf32, #tpu.memory_space<hbm>>
      tpu.wait_indirect_dma semaphore(%arg11 : memref<!tpu.dma_semaphore, #tpu.memory_space<semaphore_mem>>) src(%dma_wait3A_54 : memref<100000x64xf32, #tpu.memory_space<hbm>>) dst(%arg8 : memref<400x64xf32, #tpu.memory_space<vmem>>)
      %scan3A_55 = arith.constant 0 : i32
      %scan3A_56 = arith.constant 0 : i32
      %scan3A_57 = arith.constant 200 : i32
      %scan3A_58 = arith.addi %scan3A_56, %scan3A_57 : i32
      %scan3A_59 = arith.constant 1 : i32
      scf.for %scan3A_130 = %scan3A_56 to %scan3A_58 step %scan3A_59  : i32 {
        %get3A = arith.index_cast %scan3A_130 : i32 to index
        %get3A_131 = arith.constant 0 : index
        %get3A_132 = tpu.vector_load %arg7[%get3A, %get3A_131] {strides = array<i32>} : memref<200x64xf32, #tpu.memory_space<vmem>>, vector<1x16xf32>,
        %get3A_133 = vector.shape_cast %get3A_132 : vector<1x16xf32> to vector<16xf32>
        %get3A_134 = arith.index_cast %scan3A_130 : i32 to index
        %get3A_135 = arith.constant 16 : index
        %get3A_136 = tpu.vector_load %arg7[%get3A_134, %get3A_135] {strides = array<i32>} : memref<200x64xf32, #tpu.memory_space<vmem>>, vector<1x16xf32>,
        %get3A_137 = vector.shape_cast %get3A_136 : vector<1x16xf32> to vector<16xf32>
        %get3A_138 = arith.index_cast %scan3A_130 : i32 to index
        %get3A_139 = arith.constant 32 : index
        %get3A_140 = tpu.vector_load %arg7[%get3A_138, %get3A_139] {strides = array<i32>} : memref<200x64xf32, #tpu.memory_space<vmem>>, vector<1x16xf32>,
        %get3A_141 = vector.shape_cast %get3A_140 : vector<1x16xf32> to vector<16xf32>
        %get3A_142 = arith.index_cast %scan3A_130 : i32 to index
        %get3A_143 = arith.constant 48 : index
        %get3A_144 = tpu.vector_load %arg7[%get3A_142, %get3A_143] {strides = array<i32>} : memref<200x64xf32, #tpu.memory_space<vmem>>, vector<1x16xf32>,
        %get3A_145 = vector.shape_cast %get3A_144 : vector<1x16xf32> to vector<16xf32>
        %add3A_146 = arith.constant 0 : i32
        %add3A_147 = arith.addi %add3A_146, %scan3A_130 : i32
        %swap3A = arith.index_cast %add3A_147 : i32 to index
        %swap3A_148 = arith.constant 0 : index
        %swap3A_149 = tpu.vector_load %arg8[%swap3A, %swap3A_148] {strides = array<i32>} : memref<400x64xf32, #tpu.memory_space<vmem>>, vector<1x16xf32>,
        %swap3A_150 = vector.shape_cast %swap3A_149 : vector<1x16xf32> to vector<16xf32>
        %swap3A_151 = vector.shape_cast %get3A_133 : vector<16xf32> to vector<1x16xf32>
        tpu.vector_store %arg8[%swap3A, %swap3A_148], %swap3A_151 {add = true, strides = array<i32>} : memref<400x64xf32, #tpu.memory_space<vmem>>, vector<1x16xf32>,
        %add3A_152 = arith.constant 0 : i32
        %add3A_153 = arith.addi %add3A_152, %scan3A_130 : i32
        %swap3A_154 = arith.index_cast %add3A_153 : i32 to index
        %swap3A_155 = arith.constant 16 : index
        %swap3A_156 = tpu.vector_load %arg8[%swap3A_154, %swap3A_155] {strides = array<i32>} : memref<400x64xf32, #tpu.memory_space<vmem>>, vector<1x16xf32>,
        %swap3A_157 = vector.shape_cast %swap3A_156 : vector<1x16xf32> to vector<16xf32>
        %swap3A_158 = vector.shape_cast %get3A_137 : vector<16xf32> to vector<1x16xf32>
        tpu.vector_store %arg8[%swap3A_154, %swap3A_155], %swap3A_158 {add = true, strides = array<i32>} : memref<400x64xf32, #tpu.memory_space<vmem>>, vector<1x16xf32>,
        %add3A_159 = arith.constant 0 : i32
        %add3A_160 = arith.addi %add3A_159, %scan3A_130 : i32
        %swap3A_161 = arith.index_cast %add3A_160 : i32 to index
        %swap3A_162 = arith.constant 32 : index
        %swap3A_163 = tpu.vector_load %arg8[%swap3A_161, %swap3A_162] {strides = array<i32>} : memref<400x64xf32, #tpu.memory_space<vmem>>, vector<1x16xf32>,
        %swap3A_164 = vector.shape_cast %swap3A_163 : vector<1x16xf32> to vector<16xf32>
        %swap3A_165 = vector.shape_cast %get3A_141 : vector<16xf32> to vector<1x16xf32>
        tpu.vector_store %arg8[%swap3A_161, %swap3A_162], %swap3A_165 {add = true, strides = array<i32>} : memref<400x64xf32, #tpu.memory_space<vmem>>, vector<1x16xf32>,
        %add3A_166 = arith.constant 0 : i32
        %add3A_167 = arith.addi %add3A_166, %scan3A_130 : i32
        %swap3A_168 = arith.index_cast %add3A_167 : i32 to index
        %swap3A_169 = arith.constant 48 : index
        %swap3A_170 = tpu.vector_load %arg8[%swap3A_168, %swap3A_169] {strides = array<i32>} : memref<400x64xf32, #tpu.memory_space<vmem>>, vector<1x16xf32>,
        %swap3A_171 = vector.shape_cast %swap3A_170 : vector<1x16xf32> to vector<16xf32>
        %swap3A_172 = vector.shape_cast %get3A_145 : vector<16xf32> to vector<1x16xf32>
        tpu.vector_store %arg8[%swap3A_168, %swap3A_169], %swap3A_172 {add = true, strides = array<i32>} : memref<400x64xf32, #tpu.memory_space<vmem>>, vector<1x16xf32>,
        %add3A_173 = arith.constant 200 : i32
        %add3A_174 = arith.addi %add3A_173, %scan3A_130 : i32
        %swap3A_175 = arith.index_cast %add3A_174 : i32 to index
        %swap3A_176 = arith.constant 0 : index
        %swap3A_177 = tpu.vector_load %arg8[%swap3A_175, %swap3A_176] {strides = array<i32>} : memref<400x64xf32, #tpu.memory_space<vmem>>, vector<1x16xf32>,
        %swap3A_178 = vector.shape_cast %swap3A_177 : vector<1x16xf32> to vector<16xf32>
        %swap3A_179 = vector.shape_cast %get3A_133 : vector<16xf32> to vector<1x16xf32>
        tpu.vector_store %arg8[%swap3A_175, %swap3A_176], %swap3A_179 {add = true, strides = array<i32>} : memref<400x64xf32, #tpu.memory_space<vmem>>, vector<1x16xf32>,
        %add3A_180 = arith.constant 200 : i32
        %add3A_181 = arith.addi %add3A_180, %scan3A_130 : i32
        %swap3A_182 = arith.index_cast %add3A_181 : i32 to index
        %swap3A_183 = arith.constant 16 : index
        %swap3A_184 = tpu.vector_load %arg8[%swap3A_182, %swap3A_183] {strides = array<i32>} : memref<400x64xf32, #tpu.memory_space<vmem>>, vector<1x16xf32>,
        %swap3A_185 = vector.shape_cast %swap3A_184 : vector<1x16xf32> to vector<16xf32>
        %swap3A_186 = vector.shape_cast %get3A_137 : vector<16xf32> to vector<1x16xf32>
        tpu.vector_store %arg8[%swap3A_182, %swap3A_183], %swap3A_186 {add = true, strides = array<i32>} : memref<400x64xf32, #tpu.memory_space<vmem>>, vector<1x16xf32>,
        %add3A_187 = arith.constant 200 : i32
        %add3A_188 = arith.addi %add3A_187, %scan3A_130 : i32
        %swap3A_189 = arith.index_cast %add3A_188 : i32 to index
        %swap3A_190 = arith.constant 32 : index
        %swap3A_191 = tpu.vector_load %arg8[%swap3A_189, %swap3A_190] {strides = array<i32>} : memref<400x64xf32, #tpu.memory_space<vmem>>, vector<1x16xf32>,
        %swap3A_192 = vector.shape_cast %swap3A_191 : vector<1x16xf32> to vector<16xf32>
        %swap3A_193 = vector.shape_cast %get3A_141 : vector<16xf32> to vector<1x16xf32>
        tpu.vector_store %arg8[%swap3A_189, %swap3A_190], %swap3A_193 {add = true, strides = array<i32>} : memref<400x64xf32, #tpu.memory_space<vmem>>, vector<1x16xf32>,
        %add3A_194 = arith.constant 200 : i32
        %add3A_195 = arith.addi %add3A_194, %scan3A_130 : i32
        %swap3A_196 = arith.index_cast %add3A_195 : i32 to index
        %swap3A_197 = arith.constant 48 : index
        %swap3A_198 = tpu.vector_load %arg8[%swap3A_196, %swap3A_197] {strides = array<i32>} : memref<400x64xf32, #tpu.memory_space<vmem>>, vector<1x16xf32>,
        %swap3A_199 = vector.shape_cast %swap3A_198 : vector<1x16xf32> to vector<16xf32>
        %swap3A_200 = vector.shape_cast %get3A_145 : vector<16xf32> to vector<1x16xf32>
        tpu.vector_store %arg8[%swap3A_196, %swap3A_197], %swap3A_200 {add = true, strides = array<i32>} : memref<400x64xf32, #tpu.memory_space<vmem>>, vector<1x16xf32>,
      }
      %scan3A_60 = arith.constant 200 : i32
      %mul3A_61 = arith.constant 400 : i32
      %mul3A_62 = arith.muli %add3A_49, %mul3A_61 : i32
      %add3A_63 = arith.addi %mul3A_2, %mul3A_62 : i32
      %dma_start3A_64 = arith.constant 0 : i32
      %dma_start3A_65 = tpu.memref_slice %arg5[%add3A_63, %dma_start3A_64] : memref<819200x64xf32, #tpu.memory_space<hbm>> -> memref<400x64xf32, #tpu.memory_space<hbm>>
      %dma_start3A_66 = arith.constant 0 : i32
      %dma_start3A_67 = tpu.memref_slice %arg5[%add3A_63, %dma_start3A_66] : memref<819200x64xf32, #tpu.memory_space<hbm>> -> memref<400x64xf32, #tpu.memory_space<hbm>>
      tpu.enqueue_dma source(%arg8 : memref<400x64xf32, #tpu.memory_space<vmem>>) target(%dma_start3A_67 : memref<400x64xf32, #tpu.memory_space<hbm>>) target_semaphore(%arg14 : memref<!tpu.dma_semaphore, #tpu.memory_space<semaphore_mem>>)
      %add3A_68 = arith.constant 2 : i32
      %add3A_69 = arith.addi %add3A_49, %add3A_68 : i32
      %lt3A = arith.constant 64 : i32
      %lt3A_70 = arith.cmpi slt, %add3A_69, %lt3A : i32
      %convert_element_type3A = arith.extui %lt3A_70 : i1 to i32
      %cond3A = arith.constant 0 : i32
      %cond3A_71 = arith.cmpi ne, %convert_element_type3A, %cond3A : i32
      scf.if %cond3A_71 {
        %gt3A = arith.constant 0 : i32
        %gt3A_130 = arith.cmpi sgt, %add3A_49, %gt3A : i32
        %convert_element_type3A_131 = arith.extui %gt3A_130 : i1 to i32
        %cond3A_132 = arith.constant 0 : i32
        %cond3A_133 = arith.cmpi ne, %convert_element_type3A_131, %cond3A_132 : i32
        scf.if %cond3A_133 {
          %dma_wait3A_142 = arith.constant 0 : i32
          %dma_wait3A_143 = tpu.memref_slice %arg5[%mul3A_2, %dma_wait3A_142] : memref<819200x64xf32, #tpu.memory_space<hbm>> -> memref<400x64xf32, #tpu.memory_space<hbm>>
          %dma_wait3A_144 = arith.constant 0 : i32
          %dma_wait3A_145 = tpu.memref_slice %arg5[%mul3A_2, %dma_wait3A_144] : memref<819200x64xf32, #tpu.memory_space<hbm>> -> memref<400x64xf32, #tpu.memory_space<hbm>>
          tpu.wait_dma2 semaphore(%arg16 : memref<!tpu.dma_semaphore, #tpu.memory_space<semaphore_mem>>) src(%arg10 : memref<400x64xf32, #tpu.memory_space<vmem>>) dst(%dma_wait3A_145 : memref<400x64xf32, #tpu.memory_space<hbm>>)
        } else {
        }
        %add3A_134 = arith.constant 2 : i32
        %add3A_135 = arith.addi %add3A_49, %add3A_134 : i32
        %mul3A_136 = arith.constant 400 : i32
        %mul3A_137 = arith.muli %add3A_135, %mul3A_136 : i32
        %dma_start3A_138 = tpu.memref_slice %arg6[%mul3A_137] : memref<25600xi32, #tpu.memory_space<vmem>> -> memref<400xi32, #tpu.memory_space<vmem>>
        %dma_start3A_139 = arith.constant 0 : i32
        %dma_start3A_140 = arith.constant 0 : i32
        %dma_start3A_141 = tpu.memref_slice %arg3[%dma_start3A_139, %dma_start3A_140] : memref<100000x64xf32, #tpu.memory_space<hbm>> -> memref<100000x64xf32, #tpu.memory_space<hbm>>
        tpu.enqueue_indirect_dma source(%dma_start3A_141 : memref<100000x64xf32, #tpu.memory_space<hbm>>) target(%arg10 : memref<400x64xf32, #tpu.memory_space<vmem>>) offsets(%dma_start3A_138 : memref<400xi32, #tpu.memory_space<vmem>>) semaphore(%arg13 : memref<!tpu.dma_semaphore, #tpu.memory_space<semaphore_mem>>)
      } else {
      }
      %mul3A_72 = arith.constant 3 : i32
      %mul3A_73 = arith.muli %mul3A_72, %scan3A_45 : i32
      %add3A_74 = arith.constant 1 : i32
      %add3A_75 = arith.addi %mul3A_73, %add3A_74 : i32
      %dma_wait3A_76 = arith.constant 0 : i32
      %dma_wait3A_77 = tpu.memref_slice %arg6[%dma_wait3A_76] : memref<25600xi32, #tpu.memory_space<vmem>> -> memref<400xi32, #tpu.memory_space<vmem>>
      %dma_wait3A_78 = arith.constant 0 : i32
      %dma_wait3A_79 = arith.constant 0 : i32
      %dma_wait3A_80 = tpu.memref_slice %arg3[%dma_wait3A_78, %dma_wait3A_79] : memref<100000x64xf32, #tpu.memory_space<hbm>> -> memref<100000x64xf32, #tpu.memory_space<hbm>>
      tpu.wait_indirect_dma semaphore(%arg12 : memref<!tpu.dma_semaphore, #tpu.memory_space<semaphore_mem>>) src(%dma_wait3A_80 : memref<100000x64xf32, #tpu.memory_space<hbm>>) dst(%arg9 : memref<400x64xf32, #tpu.memory_space<vmem>>)
      %scan3A_81 = arith.constant 0 : i32
      %scan3A_82 = arith.constant 0 : i32
      %scan3A_83 = arith.constant 200 : i32
      %scan3A_84 = arith.addi %scan3A_82, %scan3A_83 : i32
      %scan3A_85 = arith.constant 1 : i32
      scf.for %scan3A_130 = %scan3A_82 to %scan3A_84 step %scan3A_85  : i32 {
        %get3A = arith.index_cast %scan3A_130 : i32 to index
        %get3A_131 = arith.constant 0 : index
        %get3A_132 = tpu.vector_load %arg7[%get3A, %get3A_131] {strides = array<i32>} : memref<200x64xf32, #tpu.memory_space<vmem>>, vector<1x16xf32>,
        %get3A_133 = vector.shape_cast %get3A_132 : vector<1x16xf32> to vector<16xf32>
        %get3A_134 = arith.index_cast %scan3A_130 : i32 to index
        %get3A_135 = arith.constant 16 : index
        %get3A_136 = tpu.vector_load %arg7[%get3A_134, %get3A_135] {strides = array<i32>} : memref<200x64xf32, #tpu.memory_space<vmem>>, vector<1x16xf32>,
        %get3A_137 = vector.shape_cast %get3A_136 : vector<1x16xf32> to vector<16xf32>
        %get3A_138 = arith.index_cast %scan3A_130 : i32 to index
        %get3A_139 = arith.constant 32 : index
        %get3A_140 = tpu.vector_load %arg7[%get3A_138, %get3A_139] {strides = array<i32>} : memref<200x64xf32, #tpu.memory_space<vmem>>, vector<1x16xf32>,
        %get3A_141 = vector.shape_cast %get3A_140 : vector<1x16xf32> to vector<16xf32>
        %get3A_142 = arith.index_cast %scan3A_130 : i32 to index
        %get3A_143 = arith.constant 48 : index
        %get3A_144 = tpu.vector_load %arg7[%get3A_142, %get3A_143] {strides = array<i32>} : memref<200x64xf32, #tpu.memory_space<vmem>>, vector<1x16xf32>,
        %get3A_145 = vector.shape_cast %get3A_144 : vector<1x16xf32> to vector<16xf32>
        %add3A_146 = arith.constant 0 : i32
        %add3A_147 = arith.addi %add3A_146, %scan3A_130 : i32
        %swap3A = arith.index_cast %add3A_147 : i32 to index
        %swap3A_148 = arith.constant 0 : index
        %swap3A_149 = tpu.vector_load %arg9[%swap3A, %swap3A_148] {strides = array<i32>} : memref<400x64xf32, #tpu.memory_space<vmem>>, vector<1x16xf32>,
        %swap3A_150 = vector.shape_cast %swap3A_149 : vector<1x16xf32> to vector<16xf32>
        %swap3A_151 = vector.shape_cast %get3A_133 : vector<16xf32> to vector<1x16xf32>
        tpu.vector_store %arg9[%swap3A, %swap3A_148], %swap3A_151 {add = true, strides = array<i32>} : memref<400x64xf32, #tpu.memory_space<vmem>>, vector<1x16xf32>,
        %add3A_152 = arith.constant 0 : i32
        %add3A_153 = arith.addi %add3A_152, %scan3A_130 : i32
        %swap3A_154 = arith.index_cast %add3A_153 : i32 to index
        %swap3A_155 = arith.constant 16 : index
        %swap3A_156 = tpu.vector_load %arg9[%swap3A_154, %swap3A_155] {strides = array<i32>} : memref<400x64xf32, #tpu.memory_space<vmem>>, vector<1x16xf32>,
        %swap3A_157 = vector.shape_cast %swap3A_156 : vector<1x16xf32> to vector<16xf32>
        %swap3A_158 = vector.shape_cast %get3A_137 : vector<16xf32> to vector<1x16xf32>
        tpu.vector_store %arg9[%swap3A_154, %swap3A_155], %swap3A_158 {add = true, strides = array<i32>} : memref<400x64xf32, #tpu.memory_space<vmem>>, vector<1x16xf32>,
        %add3A_159 = arith.constant 0 : i32
        %add3A_160 = arith.addi %add3A_159, %scan3A_130 : i32
        %swap3A_161 = arith.index_cast %add3A_160 : i32 to index
        %swap3A_162 = arith.constant 32 : index
        %swap3A_163 = tpu.vector_load %arg9[%swap3A_161, %swap3A_162] {strides = array<i32>} : memref<400x64xf32, #tpu.memory_space<vmem>>, vector<1x16xf32>,
        %swap3A_164 = vector.shape_cast %swap3A_163 : vector<1x16xf32> to vector<16xf32>
        %swap3A_165 = vector.shape_cast %get3A_141 : vector<16xf32> to vector<1x16xf32>
        tpu.vector_store %arg9[%swap3A_161, %swap3A_162], %swap3A_165 {add = true, strides = array<i32>} : memref<400x64xf32, #tpu.memory_space<vmem>>, vector<1x16xf32>,
        %add3A_166 = arith.constant 0 : i32
        %add3A_167 = arith.addi %add3A_166, %scan3A_130 : i32
        %swap3A_168 = arith.index_cast %add3A_167 : i32 to index
        %swap3A_169 = arith.constant 48 : index
        %swap3A_170 = tpu.vector_load %arg9[%swap3A_168, %swap3A_169] {strides = array<i32>} : memref<400x64xf32, #tpu.memory_space<vmem>>, vector<1x16xf32>,
        %swap3A_171 = vector.shape_cast %swap3A_170 : vector<1x16xf32> to vector<16xf32>
        %swap3A_172 = vector.shape_cast %get3A_145 : vector<16xf32> to vector<1x16xf32>
        tpu.vector_store %arg9[%swap3A_168, %swap3A_169], %swap3A_172 {add = true, strides = array<i32>} : memref<400x64xf32, #tpu.memory_space<vmem>>, vector<1x16xf32>,
        %add3A_173 = arith.constant 200 : i32
        %add3A_174 = arith.addi %add3A_173, %scan3A_130 : i32
        %swap3A_175 = arith.index_cast %add3A_174 : i32 to index
        %swap3A_176 = arith.constant 0 : index
        %swap3A_177 = tpu.vector_load %arg9[%swap3A_175, %swap3A_176] {strides = array<i32>} : memref<400x64xf32, #tpu.memory_space<vmem>>, vector<1x16xf32>,
        %swap3A_178 = vector.shape_cast %swap3A_177 : vector<1x16xf32> to vector<16xf32>
        %swap3A_179 = vector.shape_cast %get3A_133 : vector<16xf32> to vector<1x16xf32>
        tpu.vector_store %arg9[%swap3A_175, %swap3A_176], %swap3A_179 {add = true, strides = array<i32>} : memref<400x64xf32, #tpu.memory_space<vmem>>, vector<1x16xf32>,
        %add3A_180 = arith.constant 200 : i32
        %add3A_181 = arith.addi %add3A_180, %scan3A_130 : i32
        %swap3A_182 = arith.index_cast %add3A_181 : i32 to index
        %swap3A_183 = arith.constant 16 : index
        %swap3A_184 = tpu.vector_load %arg9[%swap3A_182, %swap3A_183] {strides = array<i32>} : memref<400x64xf32, #tpu.memory_space<vmem>>, vector<1x16xf32>,
        %swap3A_185 = vector.shape_cast %swap3A_184 : vector<1x16xf32> to vector<16xf32>
        %swap3A_186 = vector.shape_cast %get3A_137 : vector<16xf32> to vector<1x16xf32>
        tpu.vector_store %arg9[%swap3A_182, %swap3A_183], %swap3A_186 {add = true, strides = array<i32>} : memref<400x64xf32, #tpu.memory_space<vmem>>, vector<1x16xf32>,
        %add3A_187 = arith.constant 200 : i32
        %add3A_188 = arith.addi %add3A_187, %scan3A_130 : i32
        %swap3A_189 = arith.index_cast %add3A_188 : i32 to index
        %swap3A_190 = arith.constant 32 : index
        %swap3A_191 = tpu.vector_load %arg9[%swap3A_189, %swap3A_190] {strides = array<i32>} : memref<400x64xf32, #tpu.memory_space<vmem>>, vector<1x16xf32>,
        %swap3A_192 = vector.shape_cast %swap3A_191 : vector<1x16xf32> to vector<16xf32>
        %swap3A_193 = vector.shape_cast %get3A_141 : vector<16xf32> to vector<1x16xf32>
        tpu.vector_store %arg9[%swap3A_189, %swap3A_190], %swap3A_193 {add = true, strides = array<i32>} : memref<400x64xf32, #tpu.memory_space<vmem>>, vector<1x16xf32>,
        %add3A_194 = arith.constant 200 : i32
        %add3A_195 = arith.addi %add3A_194, %scan3A_130 : i32
        %swap3A_196 = arith.index_cast %add3A_195 : i32 to index
        %swap3A_197 = arith.constant 48 : index
        %swap3A_198 = tpu.vector_load %arg9[%swap3A_196, %swap3A_197] {strides = array<i32>} : memref<400x64xf32, #tpu.memory_space<vmem>>, vector<1x16xf32>,
        %swap3A_199 = vector.shape_cast %swap3A_198 : vector<1x16xf32> to vector<16xf32>
        %swap3A_200 = vector.shape_cast %get3A_145 : vector<16xf32> to vector<1x16xf32>
        tpu.vector_store %arg9[%swap3A_196, %swap3A_197], %swap3A_200 {add = true, strides = array<i32>} : memref<400x64xf32, #tpu.memory_space<vmem>>, vector<1x16xf32>,
      }
      %scan3A_86 = arith.constant 200 : i32
      %mul3A_87 = arith.constant 400 : i32
      %mul3A_88 = arith.muli %add3A_75, %mul3A_87 : i32
      %add3A_89 = arith.addi %mul3A_2, %mul3A_88 : i32
      %dma_start3A_90 = arith.constant 0 : i32
      %dma_start3A_91 = tpu.memref_slice %arg5[%add3A_89, %dma_start3A_90] : memref<819200x64xf32, #tpu.memory_space<hbm>> -> memref<400x64xf32, #tpu.memory_space<hbm>>
      %dma_start3A_92 = arith.constant 0 : i32
      %dma_start3A_93 = tpu.memref_slice %arg5[%add3A_89, %dma_start3A_92] : memref<819200x64xf32, #tpu.memory_space<hbm>> -> memref<400x64xf32, #tpu.memory_space<hbm>>
      tpu.enqueue_dma source(%arg9 : memref<400x64xf32, #tpu.memory_space<vmem>>) target(%dma_start3A_93 : memref<400x64xf32, #tpu.memory_space<hbm>>) target_semaphore(%arg15 : memref<!tpu.dma_semaphore, #tpu.memory_space<semaphore_mem>>)
      %add3A_94 = arith.constant 2 : i32
      %add3A_95 = arith.addi %add3A_75, %add3A_94 : i32
      %lt3A_96 = arith.constant 64 : i32
      %lt3A_97 = arith.cmpi slt, %add3A_95, %lt3A_96 : i32
      %convert_element_type3A_98 = arith.extui %lt3A_97 : i1 to i32
      %cond3A_99 = arith.constant 0 : i32
      %cond3A_100 = arith.cmpi ne, %convert_element_type3A_98, %cond3A_99 : i32
      scf.if %cond3A_100 {
        %gt3A = arith.constant 0 : i32
        %gt3A_130 = arith.cmpi sgt, %add3A_75, %gt3A : i32
        %convert_element_type3A_131 = arith.extui %gt3A_130 : i1 to i32
        %cond3A_132 = arith.constant 0 : i32
        %cond3A_133 = arith.cmpi ne, %convert_element_type3A_131, %cond3A_132 : i32
        scf.if %cond3A_133 {
          %dma_wait3A_142 = arith.constant 0 : i32
          %dma_wait3A_143 = tpu.memref_slice %arg5[%mul3A_2, %dma_wait3A_142] : memref<819200x64xf32, #tpu.memory_space<hbm>> -> memref<400x64xf32, #tpu.memory_space<hbm>>
          %dma_wait3A_144 = arith.constant 0 : i32
          %dma_wait3A_145 = tpu.memref_slice %arg5[%mul3A_2, %dma_wait3A_144] : memref<819200x64xf32, #tpu.memory_space<hbm>> -> memref<400x64xf32, #tpu.memory_space<hbm>>
          tpu.wait_dma2 semaphore(%arg14 : memref<!tpu.dma_semaphore, #tpu.memory_space<semaphore_mem>>) src(%arg8 : memref<400x64xf32, #tpu.memory_space<vmem>>) dst(%dma_wait3A_145 : memref<400x64xf32, #tpu.memory_space<hbm>>)
        } else {
        }
        %add3A_134 = arith.constant 2 : i32
        %add3A_135 = arith.addi %add3A_75, %add3A_134 : i32
        %mul3A_136 = arith.constant 400 : i32
        %mul3A_137 = arith.muli %add3A_135, %mul3A_136 : i32
        %dma_start3A_138 = tpu.memref_slice %arg6[%mul3A_137] : memref<25600xi32, #tpu.memory_space<vmem>> -> memref<400xi32, #tpu.memory_space<vmem>>
        %dma_start3A_139 = arith.constant 0 : i32
        %dma_start3A_140 = arith.constant 0 : i32
        %dma_start3A_141 = tpu.memref_slice %arg3[%dma_start3A_139, %dma_start3A_140] : memref<100000x64xf32, #tpu.memory_space<hbm>> -> memref<100000x64xf32, #tpu.memory_space<hbm>>
        tpu.enqueue_indirect_dma source(%dma_start3A_141 : memref<100000x64xf32, #tpu.memory_space<hbm>>) target(%arg8 : memref<400x64xf32, #tpu.memory_space<vmem>>) offsets(%dma_start3A_138 : memref<400xi32, #tpu.memory_space<vmem>>) semaphore(%arg11 : memref<!tpu.dma_semaphore, #tpu.memory_space<semaphore_mem>>)
      } else {
      }
      %mul3A_101 = arith.constant 3 : i32
      %mul3A_102 = arith.muli %mul3A_101, %scan3A_45 : i32
      %add3A_103 = arith.constant 2 : i32
      %add3A_104 = arith.addi %mul3A_102, %add3A_103 : i32
      %dma_wait3A_105 = arith.constant 0 : i32
      %dma_wait3A_106 = tpu.memref_slice %arg6[%dma_wait3A_105] : memref<25600xi32, #tpu.memory_space<vmem>> -> memref<400xi32, #tpu.memory_space<vmem>>
      %dma_wait3A_107 = arith.constant 0 : i32
      %dma_wait3A_108 = arith.constant 0 : i32
      %dma_wait3A_109 = tpu.memref_slice %arg3[%dma_wait3A_107, %dma_wait3A_108] : memref<100000x64xf32, #tpu.memory_space<hbm>> -> memref<100000x64xf32, #tpu.memory_space<hbm>>
      tpu.wait_indirect_dma semaphore(%arg13 : memref<!tpu.dma_semaphore, #tpu.memory_space<semaphore_mem>>) src(%dma_wait3A_109 : memref<100000x64xf32, #tpu.memory_space<hbm>>) dst(%arg10 : memref<400x64xf32, #tpu.memory_space<vmem>>)
      %scan3A_110 = arith.constant 0 : i32
      %scan3A_111 = arith.constant 0 : i32
      %scan3A_112 = arith.constant 200 : i32
      %scan3A_113 = arith.addi %scan3A_111, %scan3A_112 : i32
      %scan3A_114 = arith.constant 1 : i32
      scf.for %scan3A_130 = %scan3A_111 to %scan3A_113 step %scan3A_114  : i32 {
        %get3A = arith.index_cast %scan3A_130 : i32 to index
        %get3A_131 = arith.constant 0 : index
        %get3A_132 = tpu.vector_load %arg7[%get3A, %get3A_131] {strides = array<i32>} : memref<200x64xf32, #tpu.memory_space<vmem>>, vector<1x16xf32>,
        %get3A_133 = vector.shape_cast %get3A_132 : vector<1x16xf32> to vector<16xf32>
        %get3A_134 = arith.index_cast %scan3A_130 : i32 to index
        %get3A_135 = arith.constant 16 : index
        %get3A_136 = tpu.vector_load %arg7[%get3A_134, %get3A_135] {strides = array<i32>} : memref<200x64xf32, #tpu.memory_space<vmem>>, vector<1x16xf32>,
        %get3A_137 = vector.shape_cast %get3A_136 : vector<1x16xf32> to vector<16xf32>
        %get3A_138 = arith.index_cast %scan3A_130 : i32 to index
        %get3A_139 = arith.constant 32 : index
        %get3A_140 = tpu.vector_load %arg7[%get3A_138, %get3A_139] {strides = array<i32>} : memref<200x64xf32, #tpu.memory_space<vmem>>, vector<1x16xf32>,
        %get3A_141 = vector.shape_cast %get3A_140 : vector<1x16xf32> to vector<16xf32>
        %get3A_142 = arith.index_cast %scan3A_130 : i32 to index
        %get3A_143 = arith.constant 48 : index
        %get3A_144 = tpu.vector_load %arg7[%get3A_142, %get3A_143] {strides = array<i32>} : memref<200x64xf32, #tpu.memory_space<vmem>>, vector<1x16xf32>,
        %get3A_145 = vector.shape_cast %get3A_144 : vector<1x16xf32> to vector<16xf32>
        %add3A_146 = arith.constant 0 : i32
        %add3A_147 = arith.addi %add3A_146, %scan3A_130 : i32
        %swap3A = arith.index_cast %add3A_147 : i32 to index
        %swap3A_148 = arith.constant 0 : index
        %swap3A_149 = tpu.vector_load %arg10[%swap3A, %swap3A_148] {strides = array<i32>} : memref<400x64xf32, #tpu.memory_space<vmem>>, vector<1x16xf32>,
        %swap3A_150 = vector.shape_cast %swap3A_149 : vector<1x16xf32> to vector<16xf32>
        %swap3A_151 = vector.shape_cast %get3A_133 : vector<16xf32> to vector<1x16xf32>
        tpu.vector_store %arg10[%swap3A, %swap3A_148], %swap3A_151 {add = true, strides = array<i32>} : memref<400x64xf32, #tpu.memory_space<vmem>>, vector<1x16xf32>,
        %add3A_152 = arith.constant 0 : i32
        %add3A_153 = arith.addi %add3A_152, %scan3A_130 : i32
        %swap3A_154 = arith.index_cast %add3A_153 : i32 to index
        %swap3A_155 = arith.constant 16 : index
        %swap3A_156 = tpu.vector_load %arg10[%swap3A_154, %swap3A_155] {strides = array<i32>} : memref<400x64xf32, #tpu.memory_space<vmem>>, vector<1x16xf32>,
        %swap3A_157 = vector.shape_cast %swap3A_156 : vector<1x16xf32> to vector<16xf32>
        %swap3A_158 = vector.shape_cast %get3A_137 : vector<16xf32> to vector<1x16xf32>
        tpu.vector_store %arg10[%swap3A_154, %swap3A_155], %swap3A_158 {add = true, strides = array<i32>} : memref<400x64xf32, #tpu.memory_space<vmem>>, vector<1x16xf32>,
        %add3A_159 = arith.constant 0 : i32
        %add3A_160 = arith.addi %add3A_159, %scan3A_130 : i32
        %swap3A_161 = arith.index_cast %add3A_160 : i32 to index
        %swap3A_162 = arith.constant 32 : index
        %swap3A_163 = tpu.vector_load %arg10[%swap3A_161, %swap3A_162] {strides = array<i32>} : memref<400x64xf32, #tpu.memory_space<vmem>>, vector<1x16xf32>,
        %swap3A_164 = vector.shape_cast %swap3A_163 : vector<1x16xf32> to vector<16xf32>
        %swap3A_165 = vector.shape_cast %get3A_141 : vector<16xf32> to vector<1x16xf32>
        tpu.vector_store %arg10[%swap3A_161, %swap3A_162], %swap3A_165 {add = true, strides = array<i32>} : memref<400x64xf32, #tpu.memory_space<vmem>>, vector<1x16xf32>,
        %add3A_166 = arith.constant 0 : i32
        %add3A_167 = arith.addi %add3A_166, %scan3A_130 : i32
        %swap3A_168 = arith.index_cast %add3A_167 : i32 to index
        %swap3A_169 = arith.constant 48 : index
        %swap3A_170 = tpu.vector_load %arg10[%swap3A_168, %swap3A_169] {strides = array<i32>} : memref<400x64xf32, #tpu.memory_space<vmem>>, vector<1x16xf32>,
        %swap3A_171 = vector.shape_cast %swap3A_170 : vector<1x16xf32> to vector<16xf32>
        %swap3A_172 = vector.shape_cast %get3A_145 : vector<16xf32> to vector<1x16xf32>
        tpu.vector_store %arg10[%swap3A_168, %swap3A_169], %swap3A_172 {add = true, strides = array<i32>} : memref<400x64xf32, #tpu.memory_space<vmem>>, vector<1x16xf32>,
        %add3A_173 = arith.constant 200 : i32
        %add3A_174 = arith.addi %add3A_173, %scan3A_130 : i32
        %swap3A_175 = arith.index_cast %add3A_174 : i32 to index
        %swap3A_176 = arith.constant 0 : index
        %swap3A_177 = tpu.vector_load %arg10[%swap3A_175, %swap3A_176] {strides = array<i32>} : memref<400x64xf32, #tpu.memory_space<vmem>>, vector<1x16xf32>,
        %swap3A_178 = vector.shape_cast %swap3A_177 : vector<1x16xf32> to vector<16xf32>
        %swap3A_179 = vector.shape_cast %get3A_133 : vector<16xf32> to vector<1x16xf32>
        tpu.vector_store %arg10[%swap3A_175, %swap3A_176], %swap3A_179 {add = true, strides = array<i32>} : memref<400x64xf32, #tpu.memory_space<vmem>>, vector<1x16xf32>,
        %add3A_180 = arith.constant 200 : i32
        %add3A_181 = arith.addi %add3A_180, %scan3A_130 : i32
        %swap3A_182 = arith.index_cast %add3A_181 : i32 to index
        %swap3A_183 = arith.constant 16 : index
        %swap3A_184 = tpu.vector_load %arg10[%swap3A_182, %swap3A_183] {strides = array<i32>} : memref<400x64xf32, #tpu.memory_space<vmem>>, vector<1x16xf32>,
        %swap3A_185 = vector.shape_cast %swap3A_184 : vector<1x16xf32> to vector<16xf32>
        %swap3A_186 = vector.shape_cast %get3A_137 : vector<16xf32> to vector<1x16xf32>
        tpu.vector_store %arg10[%swap3A_182, %swap3A_183], %swap3A_186 {add = true, strides = array<i32>} : memref<400x64xf32, #tpu.memory_space<vmem>>, vector<1x16xf32>,
        %add3A_187 = arith.constant 200 : i32
        %add3A_188 = arith.addi %add3A_187, %scan3A_130 : i32
        %swap3A_189 = arith.index_cast %add3A_188 : i32 to index
        %swap3A_190 = arith.constant 32 : index
        %swap3A_191 = tpu.vector_load %arg10[%swap3A_189, %swap3A_190] {strides = array<i32>} : memref<400x64xf32, #tpu.memory_space<vmem>>, vector<1x16xf32>,
        %swap3A_192 = vector.shape_cast %swap3A_191 : vector<1x16xf32> to vector<16xf32>
        %swap3A_193 = vector.shape_cast %get3A_141 : vector<16xf32> to vector<1x16xf32>
        tpu.vector_store %arg10[%swap3A_189, %swap3A_190], %swap3A_193 {add = true, strides = array<i32>} : memref<400x64xf32, #tpu.memory_space<vmem>>, vector<1x16xf32>,
        %add3A_194 = arith.constant 200 : i32
        %add3A_195 = arith.addi %add3A_194, %scan3A_130 : i32
        %swap3A_196 = arith.index_cast %add3A_195 : i32 to index
        %swap3A_197 = arith.constant 48 : index
        %swap3A_198 = tpu.vector_load %arg10[%swap3A_196, %swap3A_197] {strides = array<i32>} : memref<400x64xf32, #tpu.memory_space<vmem>>, vector<1x16xf32>,
        %swap3A_199 = vector.shape_cast %swap3A_198 : vector<1x16xf32> to vector<16xf32>
        %swap3A_200 = vector.shape_cast %get3A_145 : vector<16xf32> to vector<1x16xf32>
        tpu.vector_store %arg10[%swap3A_196, %swap3A_197], %swap3A_200 {add = true, strides = array<i32>} : memref<400x64xf32, #tpu.memory_space<vmem>>, vector<1x16xf32>,
      }
      %scan3A_115 = arith.constant 200 : i32
      %mul3A_116 = arith.constant 400 : i32
      %mul3A_117 = arith.muli %add3A_104, %mul3A_116 : i32
      %add3A_118 = arith.addi %mul3A_2, %mul3A_117 : i32
      %dma_start3A_119 = arith.constant 0 : i32
      %dma_start3A_120 = tpu.memref_slice %arg5[%add3A_118, %dma_start3A_119] : memref<819200x64xf32, #tpu.memory_space<hbm>> -> memref<400x64xf32, #tpu.memory_space<hbm>>
      %dma_start3A_121 = arith.constant 0 : i32
      %dma_start3A_122 = tpu.memref_slice %arg5[%add3A_118, %dma_start3A_121] : memref<819200x64xf32, #tpu.memory_space<hbm>> -> memref<400x64xf32, #tpu.memory_space<hbm>>
      tpu.enqueue_dma source(%arg10 : memref<400x64xf32, #tpu.memory_space<vmem>>) target(%dma_start3A_122 : memref<400x64xf32, #tpu.memory_space<hbm>>) target_semaphore(%arg16 : memref<!tpu.dma_semaphore, #tpu.memory_space<semaphore_mem>>)
      %add3A_123 = arith.constant 2 : i32
      %add3A_124 = arith.addi %add3A_104, %add3A_123 : i32
      %lt3A_125 = arith.constant 64 : i32
      %lt3A_126 = arith.cmpi slt, %add3A_124, %lt3A_125 : i32
      %convert_element_type3A_127 = arith.extui %lt3A_126 : i1 to i32
      %cond3A_128 = arith.constant 0 : i32
      %cond3A_129 = arith.cmpi ne, %convert_element_type3A_127, %cond3A_128 : i32
      scf.if %cond3A_129 {
        %gt3A = arith.constant 0 : i32
        %gt3A_130 = arith.cmpi sgt, %add3A_104, %gt3A : i32
        %convert_element_type3A_131 = arith.extui %gt3A_130 : i1 to i32
        %cond3A_132 = arith.constant 0 : i32
        %cond3A_133 = arith.cmpi ne, %convert_element_type3A_131, %cond3A_132 : i32
        scf.if %cond3A_133 {
          %dma_wait3A_142 = arith.constant 0 : i32
          %dma_wait3A_143 = tpu.memref_slice %arg5[%mul3A_2, %dma_wait3A_142] : memref<819200x64xf32, #tpu.memory_space<hbm>> -> memref<400x64xf32, #tpu.memory_space<hbm>>
          %dma_wait3A_144 = arith.constant 0 : i32
          %dma_wait3A_145 = tpu.memref_slice %arg5[%mul3A_2, %dma_wait3A_144] : memref<819200x64xf32, #tpu.memory_space<hbm>> -> memref<400x64xf32, #tpu.memory_space<hbm>>
          tpu.wait_dma2 semaphore(%arg15 : memref<!tpu.dma_semaphore, #tpu.memory_space<semaphore_mem>>) src(%arg9 : memref<400x64xf32, #tpu.memory_space<vmem>>) dst(%dma_wait3A_145 : memref<400x64xf32, #tpu.memory_space<hbm>>)
        } else {
        }
        %add3A_134 = arith.constant 2 : i32
        %add3A_135 = arith.addi %add3A_104, %add3A_134 : i32
        %mul3A_136 = arith.constant 400 : i32
        %mul3A_137 = arith.muli %add3A_135, %mul3A_136 : i32
        %dma_start3A_138 = tpu.memref_slice %arg6[%mul3A_137] : memref<25600xi32, #tpu.memory_space<vmem>> -> memref<400xi32, #tpu.memory_space<vmem>>
        %dma_start3A_139 = arith.constant 0 : i32
        %dma_start3A_140 = arith.constant 0 : i32
        %dma_start3A_141 = tpu.memref_slice %arg3[%dma_start3A_139, %dma_start3A_140] : memref<100000x64xf32, #tpu.memory_space<hbm>> -> memref<100000x64xf32, #tpu.memory_space<hbm>>
        tpu.enqueue_indirect_dma source(%dma_start3A_141 : memref<100000x64xf32, #tpu.memory_space<hbm>>) target(%arg9 : memref<400x64xf32, #tpu.memory_space<vmem>>) offsets(%dma_start3A_138 : memref<400xi32, #tpu.memory_space<vmem>>) semaphore(%arg12 : memref<!tpu.dma_semaphore, #tpu.memory_space<semaphore_mem>>)
      } else {
      }
    }
    %scan3A_16 = arith.constant 21 : i32
    %dma_wait3A = arith.constant 0 : i32
    %dma_wait3A_17 = tpu.memref_slice %arg6[%dma_wait3A] : memref<25600xi32, #tpu.memory_space<vmem>> -> memref<400xi32, #tpu.memory_space<vmem>>
    %dma_wait3A_18 = arith.constant 0 : i32
    %dma_wait3A_19 = arith.constant 0 : i32
    %dma_wait3A_20 = tpu.memref_slice %arg3[%dma_wait3A_18, %dma_wait3A_19] : memref<100000x64xf32, #tpu.memory_space<hbm>> -> memref<100000x64xf32, #tpu.memory_space<hbm>>
    tpu.wait_indirect_dma semaphore(%arg11 : memref<!tpu.dma_semaphore, #tpu.memory_space<semaphore_mem>>) src(%dma_wait3A_20 : memref<100000x64xf32, #tpu.memory_space<hbm>>) dst(%arg8 : memref<400x64xf32, #tpu.memory_space<vmem>>)
    %scan3A_21 = arith.constant 0 : i32
    %scan3A_22 = arith.constant 0 : i32
    %scan3A_23 = arith.constant 200 : i32
    %scan3A_24 = arith.addi %scan3A_22, %scan3A_23 : i32
    %scan3A_25 = arith.constant 1 : i32
    scf.for %scan3A_45 = %scan3A_22 to %scan3A_24 step %scan3A_25  : i32 {
      %get3A = arith.index_cast %scan3A_45 : i32 to index
      %get3A_46 = arith.constant 0 : index
      %get3A_47 = tpu.vector_load %arg7[%get3A, %get3A_46] {strides = array<i32>} : memref<200x64xf32, #tpu.memory_space<vmem>>, vector<1x16xf32>,
      %get3A_48 = vector.shape_cast %get3A_47 : vector<1x16xf32> to vector<16xf32>
      %get3A_49 = arith.index_cast %scan3A_45 : i32 to index
      %get3A_50 = arith.constant 16 : index
      %get3A_51 = tpu.vector_load %arg7[%get3A_49, %get3A_50] {strides = array<i32>} : memref<200x64xf32, #tpu.memory_space<vmem>>, vector<1x16xf32>,
      %get3A_52 = vector.shape_cast %get3A_51 : vector<1x16xf32> to vector<16xf32>
      %get3A_53 = arith.index_cast %scan3A_45 : i32 to index
      %get3A_54 = arith.constant 32 : index
      %get3A_55 = tpu.vector_load %arg7[%get3A_53, %get3A_54] {strides = array<i32>} : memref<200x64xf32, #tpu.memory_space<vmem>>, vector<1x16xf32>,
      %get3A_56 = vector.shape_cast %get3A_55 : vector<1x16xf32> to vector<16xf32>
      %get3A_57 = arith.index_cast %scan3A_45 : i32 to index
      %get3A_58 = arith.constant 48 : index
      %get3A_59 = tpu.vector_load %arg7[%get3A_57, %get3A_58] {strides = array<i32>} : memref<200x64xf32, #tpu.memory_space<vmem>>, vector<1x16xf32>,
      %get3A_60 = vector.shape_cast %get3A_59 : vector<1x16xf32> to vector<16xf32>
      %add3A_61 = arith.constant 0 : i32
      %add3A_62 = arith.addi %add3A_61, %scan3A_45 : i32
      %swap3A = arith.index_cast %add3A_62 : i32 to index
      %swap3A_63 = arith.constant 0 : index
      %swap3A_64 = tpu.vector_load %arg8[%swap3A, %swap3A_63] {strides = array<i32>} : memref<400x64xf32, #tpu.memory_space<vmem>>, vector<1x16xf32>,
      %swap3A_65 = vector.shape_cast %swap3A_64 : vector<1x16xf32> to vector<16xf32>
      %swap3A_66 = vector.shape_cast %get3A_48 : vector<16xf32> to vector<1x16xf32>
      tpu.vector_store %arg8[%swap3A, %swap3A_63], %swap3A_66 {add = true, strides = array<i32>} : memref<400x64xf32, #tpu.memory_space<vmem>>, vector<1x16xf32>,
      %add3A_67 = arith.constant 0 : i32
      %add3A_68 = arith.addi %add3A_67, %scan3A_45 : i32
      %swap3A_69 = arith.index_cast %add3A_68 : i32 to index
      %swap3A_70 = arith.constant 16 : index
      %swap3A_71 = tpu.vector_load %arg8[%swap3A_69, %swap3A_70] {strides = array<i32>} : memref<400x64xf32, #tpu.memory_space<vmem>>, vector<1x16xf32>,
      %swap3A_72 = vector.shape_cast %swap3A_71 : vector<1x16xf32> to vector<16xf32>
      %swap3A_73 = vector.shape_cast %get3A_52 : vector<16xf32> to vector<1x16xf32>
      tpu.vector_store %arg8[%swap3A_69, %swap3A_70], %swap3A_73 {add = true, strides = array<i32>} : memref<400x64xf32, #tpu.memory_space<vmem>>, vector<1x16xf32>,
      %add3A_74 = arith.constant 0 : i32
      %add3A_75 = arith.addi %add3A_74, %scan3A_45 : i32
      %swap3A_76 = arith.index_cast %add3A_75 : i32 to index
      %swap3A_77 = arith.constant 32 : index
      %swap3A_78 = tpu.vector_load %arg8[%swap3A_76, %swap3A_77] {strides = array<i32>} : memref<400x64xf32, #tpu.memory_space<vmem>>, vector<1x16xf32>,
      %swap3A_79 = vector.shape_cast %swap3A_78 : vector<1x16xf32> to vector<16xf32>
      %swap3A_80 = vector.shape_cast %get3A_56 : vector<16xf32> to vector<1x16xf32>
      tpu.vector_store %arg8[%swap3A_76, %swap3A_77], %swap3A_80 {add = true, strides = array<i32>} : memref<400x64xf32, #tpu.memory_space<vmem>>, vector<1x16xf32>,
      %add3A_81 = arith.constant 0 : i32
      %add3A_82 = arith.addi %add3A_81, %scan3A_45 : i32
      %swap3A_83 = arith.index_cast %add3A_82 : i32 to index
      %swap3A_84 = arith.constant 48 : index
      %swap3A_85 = tpu.vector_load %arg8[%swap3A_83, %swap3A_84] {strides = array<i32>} : memref<400x64xf32, #tpu.memory_space<vmem>>, vector<1x16xf32>,
      %swap3A_86 = vector.shape_cast %swap3A_85 : vector<1x16xf32> to vector<16xf32>
      %swap3A_87 = vector.shape_cast %get3A_60 : vector<16xf32> to vector<1x16xf32>
      tpu.vector_store %arg8[%swap3A_83, %swap3A_84], %swap3A_87 {add = true, strides = array<i32>} : memref<400x64xf32, #tpu.memory_space<vmem>>, vector<1x16xf32>,
      %add3A_88 = arith.constant 200 : i32
      %add3A_89 = arith.addi %add3A_88, %scan3A_45 : i32
      %swap3A_90 = arith.index_cast %add3A_89 : i32 to index
      %swap3A_91 = arith.constant 0 : index
      %swap3A_92 = tpu.vector_load %arg8[%swap3A_90, %swap3A_91] {strides = array<i32>} : memref<400x64xf32, #tpu.memory_space<vmem>>, vector<1x16xf32>,
      %swap3A_93 = vector.shape_cast %swap3A_92 : vector<1x16xf32> to vector<16xf32>
      %swap3A_94 = vector.shape_cast %get3A_48 : vector<16xf32> to vector<1x16xf32>
      tpu.vector_store %arg8[%swap3A_90, %swap3A_91], %swap3A_94 {add = true, strides = array<i32>} : memref<400x64xf32, #tpu.memory_space<vmem>>, vector<1x16xf32>,
      %add3A_95 = arith.constant 200 : i32
      %add3A_96 = arith.addi %add3A_95, %scan3A_45 : i32
      %swap3A_97 = arith.index_cast %add3A_96 : i32 to index
      %swap3A_98 = arith.constant 16 : index
      %swap3A_99 = tpu.vector_load %arg8[%swap3A_97, %swap3A_98] {strides = array<i32>} : memref<400x64xf32, #tpu.memory_space<vmem>>, vector<1x16xf32>,
      %swap3A_100 = vector.shape_cast %swap3A_99 : vector<1x16xf32> to vector<16xf32>
      %swap3A_101 = vector.shape_cast %get3A_52 : vector<16xf32> to vector<1x16xf32>
      tpu.vector_store %arg8[%swap3A_97, %swap3A_98], %swap3A_101 {add = true, strides = array<i32>} : memref<400x64xf32, #tpu.memory_space<vmem>>, vector<1x16xf32>,
      %add3A_102 = arith.constant 200 : i32
      %add3A_103 = arith.addi %add3A_102, %scan3A_45 : i32
      %swap3A_104 = arith.index_cast %add3A_103 : i32 to index
      %swap3A_105 = arith.constant 32 : index
      %swap3A_106 = tpu.vector_load %arg8[%swap3A_104, %swap3A_105] {strides = array<i32>} : memref<400x64xf32, #tpu.memory_space<vmem>>, vector<1x16xf32>,
      %swap3A_107 = vector.shape_cast %swap3A_106 : vector<1x16xf32> to vector<16xf32>
      %swap3A_108 = vector.shape_cast %get3A_56 : vector<16xf32> to vector<1x16xf32>
      tpu.vector_store %arg8[%swap3A_104, %swap3A_105], %swap3A_108 {add = true, strides = array<i32>} : memref<400x64xf32, #tpu.memory_space<vmem>>, vector<1x16xf32>,
      %add3A_109 = arith.constant 200 : i32
      %add3A_110 = arith.addi %add3A_109, %scan3A_45 : i32
      %swap3A_111 = arith.index_cast %add3A_110 : i32 to index
      %swap3A_112 = arith.constant 48 : index
      %swap3A_113 = tpu.vector_load %arg8[%swap3A_111, %swap3A_112] {strides = array<i32>} : memref<400x64xf32, #tpu.memory_space<vmem>>, vector<1x16xf32>,
      %swap3A_114 = vector.shape_cast %swap3A_113 : vector<1x16xf32> to vector<16xf32>
      %swap3A_115 = vector.shape_cast %get3A_60 : vector<16xf32> to vector<1x16xf32>
      tpu.vector_store %arg8[%swap3A_111, %swap3A_112], %swap3A_115 {add = true, strides = array<i32>} : memref<400x64xf32, #tpu.memory_space<vmem>>, vector<1x16xf32>,
    }
    %scan3A_26 = arith.constant 200 : i32
    %add3A_27 = arith.constant 25200 : i32
    %add3A_28 = arith.addi %mul3A_2, %add3A_27 : i32
    %dma_start3A_29 = arith.constant 0 : i32
    %dma_start3A_30 = tpu.memref_slice %arg5[%add3A_28, %dma_start3A_29] : memref<819200x64xf32, #tpu.memory_space<hbm>> -> memref<400x64xf32, #tpu.memory_space<hbm>>
    %dma_start3A_31 = arith.constant 0 : i32
    %dma_start3A_32 = tpu.memref_slice %arg5[%add3A_28, %dma_start3A_31] : memref<819200x64xf32, #tpu.memory_space<hbm>> -> memref<400x64xf32, #tpu.memory_space<hbm>>
    tpu.enqueue_dma source(%arg8 : memref<400x64xf32, #tpu.memory_space<vmem>>) target(%dma_start3A_32 : memref<400x64xf32, #tpu.memory_space<hbm>>) target_semaphore(%arg14 : memref<!tpu.dma_semaphore, #tpu.memory_space<semaphore_mem>>)
    %dma_wait3A_33 = arith.constant 0 : i32
    %dma_wait3A_34 = tpu.memref_slice %arg5[%mul3A_2, %dma_wait3A_33] : memref<819200x64xf32, #tpu.memory_space<hbm>> -> memref<400x64xf32, #tpu.memory_space<hbm>>
    %dma_wait3A_35 = arith.constant 0 : i32
    %dma_wait3A_36 = tpu.memref_slice %arg5[%mul3A_2, %dma_wait3A_35] : memref<819200x64xf32, #tpu.memory_space<hbm>> -> memref<400x64xf32, #tpu.memory_space<hbm>>
    tpu.wait_dma2 semaphore(%arg15 : memref<!tpu.dma_semaphore, #tpu.memory_space<semaphore_mem>>) src(%arg9 : memref<400x64xf32, #tpu.memory_space<vmem>>) dst(%dma_wait3A_36 : memref<400x64xf32, #tpu.memory_space<hbm>>)
    %dma_wait3A_37 = arith.constant 0 : i32
    %dma_wait3A_38 = tpu.memref_slice %arg5[%mul3A_2, %dma_wait3A_37] : memref<819200x64xf32, #tpu.memory_space<hbm>> -> memref<400x64xf32, #tpu.memory_space<hbm>>
    %dma_wait3A_39 = arith.constant 0 : i32
    %dma_wait3A_40 = tpu.memref_slice %arg5[%mul3A_2, %dma_wait3A_39] : memref<819200x64xf32, #tpu.memory_space<hbm>> -> memref<400x64xf32, #tpu.memory_space<hbm>>
    tpu.wait_dma2 semaphore(%arg16 : memref<!tpu.dma_semaphore, #tpu.memory_space<semaphore_mem>>) src(%arg10 : memref<400x64xf32, #tpu.memory_space<vmem>>) dst(%dma_wait3A_40 : memref<400x64xf32, #tpu.memory_space<hbm>>)
    %dma_wait3A_41 = arith.constant 0 : i32
    %dma_wait3A_42 = tpu.memref_slice %arg5[%mul3A_2, %dma_wait3A_41] : memref<819200x64xf32, #tpu.memory_space<hbm>> -> memref<400x64xf32, #tpu.memory_space<hbm>>
    %dma_wait3A_43 = arith.constant 0 : i32
    %dma_wait3A_44 = tpu.memref_slice %arg5[%mul3A_2, %dma_wait3A_43] : memref<819200x64xf32, #tpu.memory_space<hbm>> -> memref<400x64xf32, #tpu.memory_space<hbm>>
    tpu.wait_dma2 semaphore(%arg14 : memref<!tpu.dma_semaphore, #tpu.memory_space<semaphore_mem>>) src(%arg8 : memref<400x64xf32, #tpu.memory_space<vmem>>) dst(%dma_wait3A_44 : memref<400x64xf32, #tpu.memory_space<hbm>>)
    return
  }
}

</mosaic_0001>

<sc_bundles>
// kernel: kernel.3.cloned.1.call-start
scs
__scs_entry_jumppad:
0x0: {  	(pc) =	sbr.rel $0x88, $3  }
0x1: {  	(tag) =	ssettag $0x0;
	lr =	simm.s32 $0x1  }
0x2: {  	[smem:$0x3F9E] =	sst lr;
	_ =	strace $0xD0000000  }
0x3: {  	_ = 	snop  }
0x4: {  	_ = 	snop  }
0x5: {  	_ = 	snop  }
0x6: {  	_ = 	snop  }
0x7: {  	_ = 	snop  }
__scs_overlays_trampoline_lowered:
0x8: {  	[smem:$0x3FAD] =	sst s0  }
0x9: {  	[smem:$0x3FAE] =	sst s1  }
0xa: {  	[smem:$0x3FAF] =	sst s2  }
0xb: {  	[smem:$0x3FB0] =	sst s3  }
0xc: {  	[smem:$0x3FB1] =	sst s4  }
0xd: {  	[smem:$0x3FB2] =	sst s5  }
0xe: {  	[smem:$0x3FB3] =	sst s6  }
0xf: {  	[smem:$0x3FB4] =	sst s7  }
0x10: {  	[smem:$0x3FB5] =	sst s8  }
0x11: {  	[smem:$0x3FB6] =	sst s9;
	s0 =	simm.s32 @!p0 $0x0  }
0x12: {  	s1 =	sld [smem:$0x3F9C];
	s0 =	simm.s32 @p0 $0x1  }
0x13: {  	[smem:$0x3FB7] =	sst s0;
	s0 =	simm.s32 @!p1 $0x0  }
0x14: {  	s2 =	sld [smem:$0x3F9B];
	s0 =	simm.s32 @p1 $0x1  }
0x15: {  	[smem:$0x3FB8] =	sst s0;
	s0 =	simm.s32 @!p2 $0x0  }
0x16: {  	s3 =	sld [smem:$0x3FDB];
	s0 =	simm.s32 @p2 $0x1  }
0x17: {  	s4 =	simm.s32 $0x1BF5;
	[smem:$0x3FBA] =	sst s0  }
0x18: {  	s0 =	sld [smem:$0x3F9D];
	_ =	swait.ge [sflag:s4], $0x0  }
0x19: {  	s7 =	sld [smem:$0x3F9E]  }
0x1a: {  	s8 =	sadd.s32 $0xFFFFE003, lr  }
0x1b: {  	s9 =	sadd.s32 $0xFFFFFEF7, lr;
	s5 =	simm.s32 $0xFFFFFFFF;
	p2 =	slt.u32 s8, $0xFFFFF086  }
0x1c: {  	p1 =	slt.u32 s9, $0xF7A;
	s5 =	simm.s32 @!p2 $0x0  }
0x1d: {  	s5 =	simm.s32 @p1 $0x1;
	p0 =	seq.s32 s7, s2  }
0x1e: {  	s7 =	smul.u32 @!p0 $0xF7A, s2;
	p2 =	seq.s32 @!p0 s5, $0x0  }
0x1f: {  	s9 =	smul.u32 $0xF7A, s1;
	s8 =	simm.s32 @!p0 $0x1BF5;
	p2 =	por !p2, p0  }
0x20: {  	[sflag:s8] =	ssyncset.s32 @!p0 $0xFFFFF086;
	s6 =	sadd.s32 @!p0 s3, s7;
	s7 =	simm.s32 @!p0 $0x108  }
0x21: {  	s3 =	sadd.s32 s3, s9;
	s6 =	sadd.s32 @!p0 $0x88, s6;
	s7 =	simm.s32 @p2 $0x1082  }
0x22: {  	[simem:s7], [sflag:s8] =	dma.local @!p0 [hbm:s6], $0xF7A  }
0x23: {  	s9 =	sor.u32 $0xD0000000, s2;
	s6 =	simm.s32 $0x108;
	_ =	swait.ge @!p0 [sflag:s8], $0x0  }
0x24: {  	s3 =	sadd.s32 $0x88, s3;
	s6 =	simm.s32 @!p1 $0x1082;
	[sflag:s4] =	ssyncset.s32 $0xFFFFF086  }
0x25: {  	[simem:s6], [sflag:s4] =	dma.local [hbm:s3], $0xF7A  }
0x26: {  	[smem:$0x3F9E] =	sst s1;
	(tag) =	ssettag s2;
	_ =	strace s9  }
0x27: {  	s1 =	sld [smem:$0x3FAE]  }
0x28: {  	s2 =	sld [smem:$0x3FAF]  }
0x29: {  	s4 =	sld [smem:$0x3FB1]  }
0x2a: {  	p0 =	seq.s32 s5, $0x0;
	s5 =	sld [smem:$0x3FB2]  }
0x2b: {  	s6 =	sld [smem:$0x3FB3]  }
0x2c: {  	s7 =	sld [smem:$0x3FB4]  }
0x2d: {  	s3 =	simm.s32 $0x108;
	s8 =	sld [smem:$0x3FB5]  }
0x2e: {  	s3 =	simm.s32 @!p0 $0x1082;
	s9 =	sld [smem:$0x3FB6]  }
0x2f: {  	lr =	sadd.s32 s0, s3;
	s0 =	sld [smem:$0x3FAD]  }
0x30: {  	s3 =	sld [smem:$0x3FB0]  }
0x31: {  	[smem:$0x3FB9] =	sst s10  }
0x32: {  	s10 =	sld [smem:$0x3FB7];
	_ =	sdelay $0x3  }
0x33: {  	p0 =	seq.s32 s10, $0x1;
	s10 =	sld [smem:$0x3FB9];
	_ =	sdelay $0x3  }
0x34: {  	[smem:$0x3FB9] =	sst s10  }
0x35: {  	s10 =	sld [smem:$0x3FB8];
	_ =	sdelay $0x3  }
0x36: {  	p1 =	seq.s32 s10, $0x1;
	s10 =	sld [smem:$0x3FB9];
	_ =	sdelay $0x3  }
0x37: {  	[smem:$0x3FB9] =	sst s10  }
0x38: {  	s10 =	sld [smem:$0x3FBA]  }
0x39: {  	_ = 	snop;
	(pc) =	sbr.ind lr, $3  }
0x3a: {  	_ = 	snop  }
0x3b: {  	_ = 	snop  }
0x3c: {  	p2 =	seq.s32 s10, $0x1;
	s10 =	sld [smem:$0x3FB9]  }
0x3d: {  	_ =	shalt  }
0x3e: {  	_ =	shalt  }
0x3f: {  	_ =	shalt  }
0x40: {  	_ =	shalt  }
0x41: {  	_ =	shalt  }
0x42: {  	_ =	shalt  }
0x43: {  	_ =	shalt  }
0x44: {  	_ =	shalt  }
0x45: {  	_ =	shalt  }
0x46: {  	_ =	shalt  }
0x47: {  	_ =	shalt  }
0x48: {  	_ =	shalt  }
0x49: {  	_ =	shalt  }
0x4a: {  	_ =	shalt  }
0x4b: {  	_ =	shalt  }
0x4c: {  	_ =	shalt  }
0x4d: {  	_ =	shalt  }
0x4e: {  	_ =	shalt  }
0x4f: {  	_ =	shalt  }
0x50: {  	_ =	shalt  }
0x51: {  	_ =	shalt  }
0x52: {  	_ =	shalt  }
0x53: {  	_ =	shalt  }
0x54: {  	_ =	shalt  }
0x55: {  	_ =	shalt  }
0x56: {  	_ =	shalt  }
0x57: {  	_ =	shalt  }
0x58: {  	_ =	shalt  }
0x59: {  	_ =	shalt  }
0x5a: {  	_ =	shalt  }
0x5b: {  	_ =	shalt  }
0x5c: {  	_ =	shalt  }
0x5d: {  	_ =	shalt  }
0x5e: {  	_ =	shalt  }
0x5f: {  	_ =	shalt  }
0x60: {  	_ =	shalt  }
0x61: {  	_ =	shalt  }
0x62: {  	_ =	shalt  }
0x63: {  	_ =	shalt  }
0x64: {  	_ =	shalt  }
0x65: {  	_ =	shalt  }
0x66: {  	_ =	shalt  }
0x67: {  	_ =	shalt  }
0x68: {  	_ =	shalt  }
0x69: {  	_ =	shalt  }
0x6a: {  	_ =	shalt  }
0x6b: {  	_ =	shalt  }
0x6c: {  	_ =	shalt  }
0x6d: {  	_ =	shalt  }
0x6e: {  	_ =	shalt  }
0x6f: {  	_ =	shalt  }
0x70: {  	_ =	shalt  }
0x71: {  	_ =	shalt  }
0x72: {  	_ =	shalt  }
0x73: {  	_ =	shalt  }
0x74: {  	_ =	shalt  }
0x75: {  	_ =	shalt  }
0x76: {  	_ =	shalt  }
0x77: {  	_ =	shalt  }
0x78: {  	_ =	shalt  }
0x79: {  	_ =	shalt  }
0x7a: {  	_ =	shalt  }
0x7b: {  	_ =	shalt  }
0x7c: {  	_ =	shalt  }
0x7d: {  	_ =	shalt  }
0x7e: {  	_ =	shalt  }
0x7f: {  	_ =	shalt  }
0x80: {  	_ =	shalt  }
0x81: {  	_ =	shalt  }
0x82: {  	_ =	shalt  }
0x83: {  	_ =	shalt  }
0x84: {  	_ =	shalt  }
0x85: {  	_ =	shalt  }
0x86: {  	_ =	shalt  }
0x87: {  	_ =	shalt  }
.Lfunc_end0:
.L_simem_size_0:
called_computation.1_lowered:
.L_overlay_start_0:
0x88: {  	s2 =	sld [smem:$0x3FD9]  }
0x89: {  	s3 =	sld [smem:$0x3FFE];
	_ =	sdelay $0x1  }
0x8a: {  	s1 =	srdreg.scid  }
0x8b: {  	s0 =	sand.u32 $0x1, s1  }
0x8c: {  	s17 =	sshll.u32 s0, $0xA;
	s2 =	sadd.s32 s3, s2  }
0x8d: {  	s2 =	sadd.s32 s2, s17  }
0x8e: {  	[smem:$0x3FC5] =	sst s2  }
0x8f: {  	_ = 	snop  }
0x90: {  	s2 =	sld [smem:$0x3FD0];
	(tm) =	ssettm $0x1  }
0x91: {  	s18 =	sld [smem:$0x3FFB];
	_ =	sdelay $0x3  }
0x92: {  	_ =	strace s18  }
0x93: {  	s3 =	sld [smem:$0x3FFC];
	_ =	sdelay $0x3  }
0x94: {  	_ =	strace s3  }
0x95: {  	s3 =	sld [smem:$0x3FFD];
	_ =	sdelay $0x3  }
0x96: {  	_ =	strace s3  }
0x97: {  	_ =	strace $0x8FFFFFFF  }
0x98: {  	s19 =	sld [smem:$0x3FDB];
	_ =	sdelay $0x1  }
0x99: {  	s4 =	simm.s32 $_scs_section_size  }
0x9a: {  	s5 =	simm.s32 $_size__tile_overlayer_lowered;
	s6 =	simm.s32 $_tile_overlayer_lowered  }
0x9b: {  	s22 =	simm.s32 $0x1BFF;
	s21 =	sshll.u32 s6, $0x1;
	s3 =	sadd.s32 s4, s19  }
0x9c: {  	s7 =	simm.s32 $0x0;
	s20 =	sshll.u32 s5, $0x1;
	s5 =	sadd.s32 s21, s3  }
0x9d: {  	[timem:s7], [sflag:s22] =	dma.local [hbm:s5], s20  }
0x9e: {  	_ =	swait.ge [sflag:s22], s20  }
0x9f: {  	s4 =	ssub.s32 $0x0, s20;
	[sflag:s22] =	ssyncset.done $0x0  }
0xa0: {  	[sflag:s22] =	ssyncadd.s32 s4;
	_ =	sdelay $0x1  }
0xa1: {  	s23 =	simm.s32 $0x1B8B  }
0xa2: {  	_ =	swait.ge [sflag:s23], $0x1  }
0xa3: {  	[sflag:s23] =	ssyncset.done $0x0  }
0xa4: {  	s25 =	simm.s32 $0x1B8E;
	s24 =	sld [smem:$0x3FFE];
	[sflag:s23] =	ssyncadd.s32 $0xFFFFFFFF  }
0xa5: {  	s26 =	simm.s32 $execute0_lowered;
	[smem:$0x3FD2] =	sst s25  }
0xa6: {  	s5 =	sshll.u32 s26, $0x1;
	_ =	strace $0x80000046;
	[dreg:$0x1] =	wrdreg $0xFFFFFFFF  }
0xa7: {  	s28 =	simm.s32 $_size_execute0_lowered;
	s3 =	sadd.s32 s3, s5;
	[dreg:$0x0] =	wrdreg $0x0  }
0xa8: {  	s5 =	sshll.u32 s28, $0x1;
	[dreg:$0x2] =	wrdreg s3  }
0xa9: {  	[dreg:$0x3] =	wrdreg s5  }
0xaa: {  	[dreg:$0x4] =	wrdreg $0xC0  }
0xab: {  	_ =	task [dreg:s7], $0x5FFFF  }
0xac: {  	[dreg:$0x1] =	wrdreg $0xFFFFFFFF  }
0xad: {  	[dreg:$0x0] =	wrdreg $0x60  }
0xae: {  	[dreg:$0x2] =	wrdreg s24  }
0xaf: {  	[dreg:$0x3] =	wrdreg s2  }
0xb0: {  	[dreg:$0x4] =	wrdreg $0x9  }
0xb1: {  	_ =	task.clear_ibuf [dreg:s7], $0x5FFFF;
	_ =	strace $0x90000046  }
0xb2: {  	s29 =	simm.s32 $0x9;
	_ =	strace $0x80000048  }
0xb3: {  	_ =	swait.ge [sflag:s29], $0x1  }
0xb4: {  	[sflag:s29] =	ssyncadd.s32 $0xFFFFFFFF  }
0xb5: {  	_ =	strace $0x90000048  }
0xb6: {  	_ =	sfence  }
0xb7: {  	s30 =	sld [smem:$0x0];
	_ =	sdelay $0x2  }
0xb8: {  	s31 =	sshll.u32 s1, $0xD;
	s1 =	sshrl.u32 s1, $0x2  }
0xb9: {  	s3 =	sand.u32 $0x4000, s31;
	s1 =	sadd.s32 s1, s30  }
0xba: {  	s0 =	sor.u32 s3, s0;
	s1 =	sshll.u32 s1, $0x11  }
0xbb: {  	s0 =	sor.u32 s1, s0  }
0xbc: {  	s0 =	sadd.s32 $0x8F2B, s0  }
0xbd: {  	[sflag:s0] =	ssyncadd.remote.s32 $0x1  }
0xbe: {  	_ =	sfence.sel $0xFFFF  }
0xbf: {  	[dreg:$0x0] =	wrdreg $0xFFFFFFFF;
	(pc) =	sbr.abs _section_cstart, $3  }
0xc0: {  	[dreg:$0x1] =	wrdreg $0xFFFFFFFF  }
0xc1: {  	_ =	task.clear_ibuf [dreg:s7], $0x2FFFF;
	_ =	strace $0x9FFFFFFF  }
0xc2: {  	(tm) =	ssettm $0x7FFFFFFF  }
0xc3: {  	_ =	shalt  }
tec
execute0_lowered:
.L_overlay_start_1:
0x0: {  	(tag) =	ssettag $0x1  }
0x1: {  	s6 =	rddreg [dreg:$0x0]  }
0x2: {  	s1 =	srdreg.scid;
	s0 =	stileid.u32  }
0x3: {  	s2 =	rddreg [dreg:$0x1];
	s3 =	simm.s32 $0x0;
	s11 =	simm.s32 $0x7  }
0x4: {  	s12 =	simm.s32 $0x6400;
	s13 =	simm.s32 $0x190;
	s14 =	simm.s32 $0x9600  }
0x5: {  	s15 =	simm.s32 $0xFA00;
	s16 =	simm.s32 $0x1;
	s17 =	simm.s32 $0x15E00  }
0x6: {  	s18 =	simm.s32 $0x2;
	s19 =	simm.s32 $0x4;
	s20 =	simm.s32 $0x3  }
0x7: {  	s21 =	simm.s32 $0x5;
	s5 =	sand.u32 $0x1, s1;
	s4 =	sshll.u32 s0, $0x1  }
0x8: {  	s22 =	simm.s32 $0x6;
	s23 =	simm.s32 $0x0;
	s7 =	sor.u32 s5, s4  }
0x9: {  	s1 =	rddreg [dreg:$0x2];
	s9 =	ssub.s32 $0x2, s5;
	s4 =	smul.u32 $0x6400, s7  }
0xa: {  	[smem:$0x7FF] =	sst s3;
	s7 =	smul.u32 $0x190000, s7;
	s10 =	sshrl.u32 s9, $0x1  }
0xb: {  	_ =	strace $0x80000047;
	s5 =	sadd.s32 $0x1A000, s6;
	s10 =	ssub.s32 s9, s10  }
0xc: {  	s8 =	sshrl.u32 s4, $0x3;
	s31 =	sshrl.u32 s7, $0x3;
	s10 =	smax.u32 s10, $0x1  }
0xd: {  	s8 =	sadd.s32 s8, s6;
	s6 =	sadd.s32 $0x800, s6;
	s9 =	sadd.s32 s2, s31  }
0xe: {  	s7 =	sadd.s32 $0x1000, s8;
	s8 =	sor.u32 $0x190, s4;
	s9 =	sadd.s32 $0x31380, s9  }
.LBB2_1:
0xf: {  	[tilespmem:s3], [sflag:$0x7] =	stream.linear.gather [hbm4b:s7+s3], $0x6400, $0x38;
	[tilespmem:$0x1C200] =	vst v63  }
0x10: {  	_ =	swait.ge [sflag:s11], $0x6400  }
0x11: {  	[sflag:s11] =	ssyncset.done $0x0  }
0x12: {  	[sflag:s11] =	ssyncadd.s32 $0xFFFF9C00  }
0x13: {  	[tilespmem:s12], [sflag:$0x7] =	stream.linear.gather [hbm4b:s6+s3], $0x3200, $0x38;
	[tilespmem:$0x1C200] =	vst v63  }
0x14: {  	_ =	swait.ge [sflag:s11], $0x3200  }
0x15: {  	[sflag:s11] =	ssyncset.done $0x0  }
0x16: {  	[sflag:s11] =	ssyncadd.s32 $0xFFFFCE00  }
0x17: {  	[tilespmem:s14], [sflag:$0x1] =	stream.indirect.gather [hbm4b:s5+s13], $0x40, s3, s13, $0xb8;
	[tilespmem:$0x1C200] =	vst v63  }
0x18: {  	s24 =	simm.s32 $0x0  }
0x19: {  	[tilespmem:s15], [sflag:$0x2] =	stream.indirect.gather [hbm4b:s5+s13], $0x40, s13, s13, $0xb8;
	[tilespmem:$0x1C200] =	vst v63  }
.LBB2_2:
0x1a: {  	_ =	swait.ge [sflag:s16], $0x6400  }
0x1b: {  	[sflag:s16] =	ssyncset.done $0x0  }
0x1c: {  	s25 =	simm.s32 $0x0;
	[sflag:s16] =	ssyncadd.s32 $0xFFFF9C00  }
0x1d: {  	v1 =	vld [tilespmem:s25+$0x6430]  }
0x1e: {  	v2 =	vld [tilespmem:s25+$0x6400]  }
0x1f: {  	v3 =	vld [tilespmem:s25+$0x6410]  }
0x20: {  	v0 =	vld [tilespmem:s25+$0x6420];
	_ =	sdelay $0x1  }
0x21: {  	[tilespmem:s25+$0xC830] =	vst.add.f32.msk $0xffff, v1  }
0x22: {  	[tilespmem:s25+$0x9600] =	vst.add.f32.msk $0xffff, v2  }
0x23: {  	[tilespmem:s25+$0x9610] =	vst.add.f32.msk $0xffff, v3  }
0x24: {  	[tilespmem:s25+$0x9620] =	vst.add.f32.msk $0xffff, v0  }
0x25: {  	[tilespmem:s25+$0x9630] =	vst.add.f32.msk $0xffff, v1  }
0x26: {  	[tilespmem:s25+$0xC800] =	vst.add.f32.msk $0xffff, v2  }
0x27: {  	s28 =	simm.s32 $0x40;
	s26 =	simm.s32 $0x200;
	[tilespmem:s25+$0xC810] =	vst.add.f32.msk $0xffff, v3  }
.LBB2_3:
0x28: {  	p0 =	sne.s32 s26, $0xC700;
	v1 =	vld [tilespmem:s28+$0x6430]  }
0x29: {  	v2 =	vld [tilespmem:s28+$0x6400]  }
0x2a: {  	v3 =	vld [tilespmem:s28+$0x6410]  }
0x2b: {  	v4 =	vld [tilespmem:s28+$0x6420]  }
0x2c: {  	[tilespmem:s25+$0xC820] =	vst.add.f32.msk $0xffff, v0;
	s25 =	smov.u32 s28  }
0x2d: {  	[tilespmem:s25+$0xC830] =	vst.add.f32.msk $0xffff, v1  }
0x2e: {  	[tilespmem:s25+$0x9600] =	vst.add.f32.msk $0xffff, v2  }
.Ltmp0:
0x2f: {  	[tilespmem:s25+$0x9610] =	vst.add.f32.msk $0xffff, v3;
	(pc) =	sbr.rel @p0 .LBB2_3-.Ltmp0, $4  }
0x30: {  	[tilespmem:s25+$0x9620] =	vst.add.f32.msk $0xffff, v4;
	v0 =	vmov v4  }
0x31: {  	[tilespmem:s25+$0x9630] =	vst.add.f32.msk $0xffff, v1  }
0x32: {  	[tilespmem:s25+$0xC800] =	vst.add.f32.msk $0xffff, v2  }
0x33: {  	s28 =	sshra.s32 s26, $0x2;
	s26 =	sadd.s32 $0x100, s26;
	[tilespmem:s25+$0xC810] =	vst.add.f32.msk $0xffff, v3  }
0x34: {  	v1 =	vld [tilespmem:s28+$0x6430]  }
0x35: {  	v2 =	vld [tilespmem:s28+$0x6400]  }
0x36: {  	v3 =	vld [tilespmem:s28+$0x6410]  }
0x37: {  	v4 =	vld [tilespmem:s28+$0x6420]  }
0x38: {  	[tilespmem:s25+$0xC820] =	vst.add.f32.msk $0xffff, v0  }
0x39: {  	[tilespmem:s28+$0xC830] =	vst.add.f32.msk $0xffff, v1  }
0x3a: {  	[tilespmem:s28+$0x9600] =	vst.add.f32.msk $0xffff, v2  }
0x3b: {  	[tilespmem:s28+$0x9610] =	vst.add.f32.msk $0xffff, v3  }
0x3c: {  	s26 =	smul.u32 $0x4B0, s24;
	[tilespmem:s28+$0x9620] =	vst.add.f32.msk $0xffff, v4  }
0x3d: {  	[tilespmem:s28+$0x9630] =	vst.add.f32.msk $0xffff, v1  }
0x3e: {  	s31 =	sadd.s32 s4, s26;
	[tilespmem:s28+$0xC800] =	vst.add.f32.msk $0xffff, v2  }
0x3f: {  	s25 =	sshll.u32 s31, $0x3;
	[tilespmem:s28+$0xC810] =	vst.add.f32.msk $0xffff, v3  }
0x40: {  	p0 =	seq.s32 s24, $0x0;
	s25 =	sadd.s32 s2, s25;
	[tilespmem:s28+$0xC820] =	vst.add.f32.msk $0xffff, v4;
	s28 =	smul.u32 $0x3, s24  }
0x41: {  	[hbm4b:s25+s3] =	stream.linear.scatter [tilespmem:s14], [sflag:$0x4], $0x6400, $0x38;
	[tilespmem:$0x1C200] =	vst v63  }
0x42: {  	s25 =	sadd.s32 $0x2, s28;
	s28 =	simm.s32 @!p0 $0x6  }
0x43: {  	_ =	swait.ge @!p0 [sflag:s28], $0x6400;
	s29 =	smul.u32 $0x640, s25  }
0x44: {  	[sflag:s28] =	ssyncset.done @!p0 $0x0  }
0x45: {  	[sflag:s28] =	ssyncadd.s32 @!p0 $0xFFFF9C00;
	s28 =	sshra.s32 s29, $0x2  }
0x46: {  	[tilespmem:s17], [sflag:$0x3] =	stream.indirect.gather [hbm4b:s5+s13], $0x40, s28, s13, $0xb8;
	[tilespmem:$0x1C200] =	vst v63  }
0x47: {  	_ =	swait.ge [sflag:s18], $0x6400  }
0x48: {  	[sflag:s18] =	ssyncset.done $0x0  }
0x49: {  	s28 =	simm.s32 $0x0;
	[sflag:s18] =	ssyncadd.s32 $0xFFFF9C00  }
0x4a: {  	v1 =	vld [tilespmem:s28+$0x6430]  }
0x4b: {  	v2 =	vld [tilespmem:s28+$0x6400]  }
0x4c: {  	v3 =	vld [tilespmem:s28+$0x6410]  }
0x4d: {  	v0 =	vld [tilespmem:s28+$0x6420];
	_ =	sdelay $0x1  }
0x4e: {  	[tilespmem:s28+$0x12C30] =	vst.add.f32.msk $0xffff, v1  }
0x4f: {  	[tilespmem:s28+$0xFA00] =	vst.add.f32.msk $0xffff, v2  }
0x50: {  	[tilespmem:s28+$0xFA10] =	vst.add.f32.msk $0xffff, v3  }
0x51: {  	[tilespmem:s28+$0xFA20] =	vst.add.f32.msk $0xffff, v0  }
0x52: {  	[tilespmem:s28+$0xFA30] =	vst.add.f32.msk $0xffff, v1  }
0x53: {  	[tilespmem:s28+$0x12C00] =	vst.add.f32.msk $0xffff, v2  }
0x54: {  	s30 =	simm.s32 $0x200;
	s29 =	simm.s32 $0x40;
	[tilespmem:s28+$0x12C10] =	vst.add.f32.msk $0xffff, v3  }
.LBB2_5:
0x55: {  	p0 =	sne.s32 s30, $0xC700;
	v1 =	vld [tilespmem:s29+$0x6430]  }
0x56: {  	v2 =	vld [tilespmem:s29+$0x6400]  }
0x57: {  	v3 =	vld [tilespmem:s29+$0x6410]  }
0x58: {  	v4 =	vld [tilespmem:s29+$0x6420]  }
0x59: {  	[tilespmem:s28+$0x12C20] =	vst.add.f32.msk $0xffff, v0;
	s28 =	smov.u32 s29  }
0x5a: {  	[tilespmem:s28+$0x12C30] =	vst.add.f32.msk $0xffff, v1  }
0x5b: {  	[tilespmem:s28+$0xFA00] =	vst.add.f32.msk $0xffff, v2  }
.Ltmp1:
0x5c: {  	[tilespmem:s28+$0xFA10] =	vst.add.f32.msk $0xffff, v3;
	(pc) =	sbr.rel @p0 .LBB2_5-.Ltmp1, $4  }
0x5d: {  	[tilespmem:s28+$0xFA20] =	vst.add.f32.msk $0xffff, v4;
	v0 =	vmov v4  }
0x5e: {  	[tilespmem:s28+$0xFA30] =	vst.add.f32.msk $0xffff, v1  }
0x5f: {  	[tilespmem:s28+$0x12C00] =	vst.add.f32.msk $0xffff, v2  }
0x60: {  	s29 =	sshra.s32 s30, $0x2;
	s30 =	sadd.s32 $0x100, s30;
	[tilespmem:s28+$0x12C10] =	vst.add.f32.msk $0xffff, v3  }
0x61: {  	v1 =	vld [tilespmem:s29+$0x6430]  }
0x62: {  	v2 =	vld [tilespmem:s29+$0x6400]  }
0x63: {  	v3 =	vld [tilespmem:s29+$0x6410]  }
0x64: {  	v4 =	vld [tilespmem:s29+$0x6420]  }
0x65: {  	[tilespmem:s28+$0x12C20] =	vst.add.f32.msk $0xffff, v0  }
0x66: {  	[tilespmem:s29+$0x12C30] =	vst.add.f32.msk $0xffff, v1  }
0x67: {  	[tilespmem:s29+$0xFA00] =	vst.add.f32.msk $0xffff, v2  }
0x68: {  	[tilespmem:s29+$0xFA10] =	vst.add.f32.msk $0xffff, v3  }
0x69: {  	[tilespmem:s29+$0xFA20] =	vst.add.f32.msk $0xffff, v4  }
0x6a: {  	s26 =	sadd.s32 s26, s8;
	[tilespmem:s29+$0xFA30] =	vst.add.f32.msk $0xffff, v1  }
0x6b: {  	s26 =	sshll.u32 s26, $0x3;
	[tilespmem:s29+$0x12C00] =	vst.add.f32.msk $0xffff, v2  }
0x6c: {  	s26 =	sand.u32 $0x1FFFFF80, s26;
	[tilespmem:s29+$0x12C10] =	vst.add.f32.msk $0xffff, v3  }
0x6d: {  	s28 =	simm.s32 $0x0;
	s31 =	smul.u32 $0x12C0, s24;
	s26 =	sadd.s32 s2, s26;
	[tilespmem:s29+$0x12C20] =	vst.add.f32.msk $0xffff, v4  }
0x6e: {  	[hbm4b:s26+s28] =	stream.linear.scatter [tilespmem:s15], [sflag:$0x5], $0x6400, $0x38;
	[tilespmem:$0x1C200] =	vst v63  }
0x6f: {  	_ =	swait.ge [sflag:s19], $0x6400  }
0x70: {  	s26 =	sshra.s32 s31, $0x2;
	[sflag:s19] =	ssyncset.done $0x0  }
0x71: {  	s28 =	sadd.s32 $0x4B0, s26;
	[sflag:s19] =	ssyncadd.s32 $0xFFFF9C00  }
0x72: {  	[tilespmem:s14], [sflag:$0x1] =	stream.indirect.gather [hbm4b:s5+s13], $0x40, s28, s13, $0xb8;
	[tilespmem:$0x1C200] =	vst v63  }
0x73: {  	_ =	swait.ge [sflag:s20], $0x6400  }
0x74: {  	[sflag:s20] =	ssyncset.done $0x0  }
0x75: {  	s28 =	simm.s32 $0x0;
	[sflag:s20] =	ssyncadd.s32 $0xFFFF9C00  }
0x76: {  	v1 =	vld [tilespmem:s28+$0x6430]  }
0x77: {  	v2 =	vld [tilespmem:s28+$0x6400]  }
0x78: {  	v3 =	vld [tilespmem:s28+$0x6410]  }
0x79: {  	v0 =	vld [tilespmem:s28+$0x6420];
	_ =	sdelay $0x1  }
0x7a: {  	[tilespmem:s28+$0x19030] =	vst.add.f32.msk $0xffff, v1  }
0x7b: {  	[tilespmem:s28+$0x15E00] =	vst.add.f32.msk $0xffff, v2  }
0x7c: {  	[tilespmem:s28+$0x15E10] =	vst.add.f32.msk $0xffff, v3  }
0x7d: {  	[tilespmem:s28+$0x15E20] =	vst.add.f32.msk $0xffff, v0  }
0x7e: {  	[tilespmem:s28+$0x15E30] =	vst.add.f32.msk $0xffff, v1  }
0x7f: {  	[tilespmem:s28+$0x19000] =	vst.add.f32.msk $0xffff, v2  }
0x80: {  	s30 =	simm.s32 $0x200;
	s29 =	simm.s32 $0x40;
	[tilespmem:s28+$0x19010] =	vst.add.f32.msk $0xffff, v3  }
.LBB2_7:
0x81: {  	p0 =	sne.s32 s30, $0xC700;
	v1 =	vld [tilespmem:s29+$0x6430]  }
0x82: {  	v2 =	vld [tilespmem:s29+$0x6400]  }
0x83: {  	v3 =	vld [tilespmem:s29+$0x6410]  }
0x84: {  	v4 =	vld [tilespmem:s29+$0x6420]  }
0x85: {  	[tilespmem:s28+$0x19020] =	vst.add.f32.msk $0xffff, v0;
	s28 =	smov.u32 s29  }
0x86: {  	[tilespmem:s28+$0x19030] =	vst.add.f32.msk $0xffff, v1  }
0x87: {  	[tilespmem:s28+$0x15E00] =	vst.add.f32.msk $0xffff, v2  }
.Ltmp2:
0x88: {  	[tilespmem:s28+$0x15E10] =	vst.add.f32.msk $0xffff, v3;
	(pc) =	sbr.rel @p0 .LBB2_7-.Ltmp2, $4  }
0x89: {  	[tilespmem:s28+$0x15E20] =	vst.add.f32.msk $0xffff, v4;
	v0 =	vmov v4  }
0x8a: {  	[tilespmem:s28+$0x15E30] =	vst.add.f32.msk $0xffff, v1  }
0x8b: {  	[tilespmem:s28+$0x19000] =	vst.add.f32.msk $0xffff, v2  }
0x8c: {  	s29 =	sshra.s32 s30, $0x2;
	s30 =	sadd.s32 $0x100, s30;
	[tilespmem:s28+$0x19010] =	vst.add.f32.msk $0xffff, v3  }
0x8d: {  	v1 =	vld [tilespmem:s29+$0x6430]  }
0x8e: {  	v2 =	vld [tilespmem:s29+$0x6400]  }
0x8f: {  	v3 =	vld [tilespmem:s29+$0x6410]  }
0x90: {  	v4 =	vld [tilespmem:s29+$0x6420]  }
0x91: {  	[tilespmem:s28+$0x19020] =	vst.add.f32.msk $0xffff, v0  }
0x92: {  	[tilespmem:s29+$0x19030] =	vst.add.f32.msk $0xffff, v1  }
0x93: {  	[tilespmem:s29+$0x15E00] =	vst.add.f32.msk $0xffff, v2  }
0x94: {  	s25 =	smul.u32 $0x190, s25;
	[tilespmem:s29+$0x15E10] =	vst.add.f32.msk $0xffff, v3  }
0x95: {  	p0 =	seq.s32 s24, $0x14;
	[tilespmem:s29+$0x15E20] =	vst.add.f32.msk $0xffff, v4  }
.Ltmp3:
0x96: {  	s25 =	sadd.s32 s4, s25;
	[tilespmem:s29+$0x15E30] =	vst.add.f32.msk $0xffff, v1;
	(pc) =	sbr.rel @p0 .LBB2_10-.Ltmp3, $4  }
0x97: {  	s25 =	sshll.u32 s25, $0x3;
	[tilespmem:s29+$0x19000] =	vst.add.f32.msk $0xffff, v2  }
0x98: {  	s25 =	sand.u32 $0x1FFFFF80, s25;
	[tilespmem:s29+$0x19010] =	vst.add.f32.msk $0xffff, v3  }
0x99: {  	[tilespmem:s29+$0x19020] =	vst.add.f32.msk $0xffff, v4;
	s25 =	sadd.s32 s2, s25  }
0x9a: {  	[hbm4b:s25+s3] =	stream.linear.scatter [tilespmem:s17], [sflag:$0x6], $0x6400, $0x38;
	[tilespmem:$0x1C200] =	vst v63  }
.Ltmp4:
0x9b: {  	(pc) =	sbr.rel .LBB2_2-.Ltmp4, $4  }
0x9c: {  	_ =	swait.ge [sflag:s21], $0x6400  }
0x9d: {  	[sflag:s21] =	ssyncset.done $0x0  }
0x9e: {  	s25 =	sadd.s32 $0x640, s26;
	s24 =	sadd.s32 $0x1, s24;
	[sflag:s21] =	ssyncadd.s32 $0xFFFF9C00  }
0x9f: {  	[tilespmem:s15], [sflag:$0x2] =	stream.indirect.gather [hbm4b:s5+s13], $0x40, s25, s13, $0xb8;
	[tilespmem:$0x1C200] =	vst v63  }
.LBB2_10:
0xa0: {  	_ =	swait.ge [sflag:s16], $0x6400  }
0xa1: {  	[sflag:s16] =	ssyncset.done $0x0  }
0xa2: {  	s24 =	simm.s32 $0x0;
	[sflag:s16] =	ssyncadd.s32 $0xFFFF9C00  }
0xa3: {  	v1 =	vld [tilespmem:s24+$0x6430]  }
0xa4: {  	v2 =	vld [tilespmem:s24+$0x6400]  }
0xa5: {  	v3 =	vld [tilespmem:s24+$0x6410]  }
0xa6: {  	v0 =	vld [tilespmem:s24+$0x6420];
	_ =	sdelay $0x1  }
0xa7: {  	[tilespmem:s24+$0xC830] =	vst.add.f32.msk $0xffff, v1  }
0xa8: {  	[tilespmem:s24+$0x9600] =	vst.add.f32.msk $0xffff, v2  }
0xa9: {  	[tilespmem:s24+$0x9610] =	vst.add.f32.msk $0xffff, v3  }
0xaa: {  	[tilespmem:s24+$0x9620] =	vst.add.f32.msk $0xffff, v0  }
0xab: {  	[tilespmem:s24+$0x9630] =	vst.add.f32.msk $0xffff, v1  }
0xac: {  	[tilespmem:s24+$0xC800] =	vst.add.f32.msk $0xffff, v2  }
0xad: {  	s26 =	simm.s32 $0x40;
	s25 =	simm.s32 $0x200;
	[tilespmem:s24+$0xC810] =	vst.add.f32.msk $0xffff, v3  }
.LBB2_11:
0xae: {  	p0 =	sne.s32 s25, $0xC700;
	v1 =	vld [tilespmem:s26+$0x6430]  }
0xaf: {  	v2 =	vld [tilespmem:s26+$0x6400]  }
0xb0: {  	v3 =	vld [tilespmem:s26+$0x6410]  }
0xb1: {  	v4 =	vld [tilespmem:s26+$0x6420]  }
0xb2: {  	[tilespmem:s24+$0xC820] =	vst.add.f32.msk $0xffff, v0;
	s24 =	smov.u32 s26  }
0xb3: {  	[tilespmem:s24+$0xC830] =	vst.add.f32.msk $0xffff, v1  }
0xb4: {  	[tilespmem:s24+$0x9600] =	vst.add.f32.msk $0xffff, v2  }
.Ltmp5:
0xb5: {  	[tilespmem:s24+$0x9610] =	vst.add.f32.msk $0xffff, v3;
	(pc) =	sbr.rel @p0 .LBB2_11-.Ltmp5, $4  }
0xb6: {  	[tilespmem:s24+$0x9620] =	vst.add.f32.msk $0xffff, v4;
	v0 =	vmov v4  }
0xb7: {  	[tilespmem:s24+$0x9630] =	vst.add.f32.msk $0xffff, v1  }
0xb8: {  	[tilespmem:s24+$0xC800] =	vst.add.f32.msk $0xffff, v2  }
0xb9: {  	s26 =	sshra.s32 s25, $0x2;
	s25 =	sadd.s32 $0x100, s25;
	[tilespmem:s24+$0xC810] =	vst.add.f32.msk $0xffff, v3  }
0xba: {  	v1 =	vld [tilespmem:s26+$0x6430]  }
0xbb: {  	v2 =	vld [tilespmem:s26+$0x6400]  }
0xbc: {  	v3 =	vld [tilespmem:s26+$0x6410]  }
0xbd: {  	v4 =	vld [tilespmem:s26+$0x6420]  }
0xbe: {  	[tilespmem:s24+$0xC820] =	vst.add.f32.msk $0xffff, v0  }
0xbf: {  	[tilespmem:s26+$0xC830] =	vst.add.f32.msk $0xffff, v1  }
0xc0: {  	[tilespmem:s26+$0x9600] =	vst.add.f32.msk $0xffff, v2  }
0xc1: {  	[tilespmem:s26+$0x9610] =	vst.add.f32.msk $0xffff, v3  }
0xc2: {  	[tilespmem:s26+$0x9620] =	vst.add.f32.msk $0xffff, v4  }
0xc3: {  	[tilespmem:s26+$0x9630] =	vst.add.f32.msk $0xffff, v1  }
0xc4: {  	[tilespmem:s26+$0xC800] =	vst.add.f32.msk $0xffff, v2  }
0xc5: {  	[tilespmem:s26+$0xC810] =	vst.add.f32.msk $0xffff, v3  }
0xc6: {  	[tilespmem:s26+$0xC820] =	vst.add.f32.msk $0xffff, v4  }
0xc7: {  	[hbm4b:s9+s3] =	stream.linear.scatter [tilespmem:s14], [sflag:$0x4], $0x6400, $0x38;
	[tilespmem:$0x1C200] =	vst v63  }
0xc8: {  	_ =	swait.ge [sflag:s21], $0x6400  }
0xc9: {  	[sflag:s21] =	ssyncset.done $0x0  }
0xca: {  	s23 =	sadd.s32 $0x1, s23;
	[sflag:s21] =	ssyncadd.s32 $0xFFFF9C00  }
0xcb: {  	p0 =	sne.s32 s23, s10;
	_ =	swait.ge [sflag:s22], $0x6400  }
.Ltmp6:
0xcc: {  	[sflag:s22] =	ssyncset.done $0x0;
	(pc) =	sbr.rel @p0 .LBB2_1-.Ltmp6, $4  }
0xcd: {  	[sflag:s22] =	ssyncadd.s32 $0xFFFF9C00  }
0xce: {  	_ =	swait.ge [sflag:s19], $0x6400  }
0xcf: {  	[sflag:s19] =	ssyncset.done $0x0  }
0xd0: {  	[sflag:s19] =	ssyncadd.s32 $0xFFFF9C00  }
0xd1: {  	_ =	sfence.sel $0x180000  }
0xd2: {  	[bflag:$0x0] =	sbarrier.arrive $0xFFFF  }
0xd3: {  	p0 =	sne.s32 s0, $0x0;
	_ =	strace $0x90000047  }
0xd4: {  	s0 =	sadd.s32 @!p0 $0x100000, s1;
	[bflag:$0x2] =	sbarrier.arrive $0xFFFF  }
0xd5: {  	[sflag:s0] =	ssyncadd.tile.s32 @!p0 $0x1;
	_ =	shalt  }
.Lfunc_end2:
_tile_overlayer_lowered:
.L_overlay_start_2:
0xd6: {  	(tag) =	ssettag $0x2  }
0xd7: {  	s0 =	rddreg [dreg:$0x0];
	s2 =	stileid.u32  }
0xd8: {  	s1 =	rddreg [dreg:$0x1];
	p0 =	sne.s32 s2, $0x0  }
0xd9: {  	s3 =	rddreg [dreg:$0x2];
	[bflag:$0x3] =	sbarrier.arrive $0xFFFF;
	s2 =	simm.s32 @!p0 $0x1C07  }
0xda: {  	[timem:s3], [sflag:s2] =	dma.local @!p0 [hbm:s0], s1  }
0xdb: {  	s0 =	simm.s32 @!p0 $0x7  }
0xdc: {  	_ =	swait.ge @!p0 [sflag:s0], s1  }
0xdd: {  	s1 =	ssub.s32 @!p0 $0x0, s1;
	[sflag:s0] =	ssyncset.done @!p0 $0x0  }
0xde: {  	[sflag:s0] =	ssyncadd.s32 @!p0 s1  }
0xdf: {  	[bflag:$0x3] =	sbarrier.arrive $0xFFFF  }
0xe0: {  	_ =	shalt  }

// kernel: sparse-core-data-format-call.cloned.1.call-start
scs
called_computation_lowered:
.L_overlay_start_0:
0x0: {  	s2 =	sld [smem:$0x3FD9]  }
0x1: {  	s3 =	sld [smem:$0x3FFE];
	_ =	sdelay $0x1  }
0x2: {  	s1 =	srdreg.scid  }
0x3: {  	s0 =	sand.u32 $0x1, s1  }
0x4: {  	s18 =	sshll.u32 s0, $0xA;
	s2 =	sadd.s32 s3, s2  }
0x5: {  	s2 =	sadd.s32 s2, s18  }
0x6: {  	[smem:$0x3FC5] =	sst s2  }
0x7: {  	_ = 	snop  }
0x8: {  	s2 =	sld [smem:$0x3FD0];
	(tm) =	ssettm $0x1  }
0x9: {  	s19 =	sld [smem:$0x3FFB];
	_ =	sdelay $0x3  }
0xa: {  	_ =	strace s19  }
0xb: {  	s3 =	sld [smem:$0x3FFC];
	_ =	sdelay $0x3  }
0xc: {  	_ =	strace s3  }
0xd: {  	s3 =	sld [smem:$0x3FFD];
	_ =	sdelay $0x3  }
0xe: {  	_ =	strace s3  }
0xf: {  	_ =	strace $0x8FFFFFFF  }
0x10: {  	s20 =	sld [smem:$0x3FDB];
	_ =	sdelay $0x1  }
0x11: {  	s4 =	simm.s32 $_scs_section_size  }
0x12: {  	s5 =	simm.s32 $_size__tile_overlayer_lowered;
	s6 =	simm.s32 $_tile_overlayer_lowered  }
0x13: {  	s23 =	simm.s32 $0x1BFF;
	s22 =	sshll.u32 s6, $0x1;
	s3 =	sadd.s32 s4, s20  }
0x14: {  	s7 =	simm.s32 $0x0;
	s21 =	sshll.u32 s5, $0x1;
	s5 =	sadd.s32 s22, s3  }
0x15: {  	[timem:s7], [sflag:s23] =	dma.local [hbm:s5], s21  }
0x16: {  	_ =	swait.ge [sflag:s23], s21  }
0x17: {  	s4 =	ssub.s32 $0x0, s21;
	[sflag:s23] =	ssyncset.done $0x0  }
0x18: {  	[sflag:s23] =	ssyncadd.s32 s4;
	_ =	sdelay $0x1  }
0x19: {  	s24 =	simm.s32 $0x1B8B  }
0x1a: {  	_ =	swait.ge [sflag:s24], $0x1  }
0x1b: {  	[sflag:s24] =	ssyncset.done $0x0  }
0x1c: {  	s26 =	simm.s32 $0x1B8E;
	s25 =	sld [smem:$0x3FFE];
	[sflag:s24] =	ssyncadd.s32 $0xFFFFFFFF  }
0x1d: {  	s27 =	simm.s32 $execute0_lowered;
	[smem:$0x3FD2] =	sst s26  }
0x1e: {  	s5 =	sshll.u32 s27, $0x1;
	_ =	strace $0x80000049;
	[dreg:$0x1] =	wrdreg $0xFFFFFFFF  }
0x1f: {  	s28 =	simm.s32 $_size_execute0_lowered;
	s3 =	sadd.s32 s3, s5;
	[dreg:$0x0] =	wrdreg $0x0  }
0x20: {  	s5 =	sshll.u32 s28, $0x1;
	[dreg:$0x2] =	wrdreg s3  }
0x21: {  	[dreg:$0x3] =	wrdreg s5  }
0x22: {  	[dreg:$0x4] =	wrdreg $0xC0  }
0x23: {  	_ =	task [dreg:s7], $0x5FFFF  }
0x24: {  	[dreg:$0x1] =	wrdreg $0xFFFFFFFF  }
0x25: {  	[dreg:$0x0] =	wrdreg $0x60  }
0x26: {  	[dreg:$0x2] =	wrdreg s25  }
0x27: {  	[dreg:$0x3] =	wrdreg s2  }
0x28: {  	[dreg:$0x4] =	wrdreg $0x9  }
0x29: {  	_ =	task.clear_ibuf [dreg:s7], $0x5FFFF;
	_ =	strace $0x90000049  }
0x2a: {  	s29 =	simm.s32 $0x9;
	_ =	strace $0x8000004B  }
0x2b: {  	_ =	swait.ge [sflag:s29], $0x1  }
0x2c: {  	[sflag:s29] =	ssyncadd.s32 $0xFFFFFFFF  }
0x2d: {  	_ =	strace $0x9000004B  }
0x2e: {  	_ =	sfence  }
0x2f: {  	s30 =	sld [smem:$0x0];
	_ =	sdelay $0x2  }
0x30: {  	s31 =	sshll.u32 s1, $0xD;
	s1 =	sshrl.u32 s1, $0x2  }
0x31: {  	s3 =	sand.u32 $0x4000, s31;
	s1 =	sadd.s32 s1, s30  }
0x32: {  	s0 =	sor.u32 s3, s0;
	s1 =	sshll.u32 s1, $0x11  }
0x33: {  	s0 =	sor.u32 s1, s0  }
0x34: {  	s0 =	sadd.s32 $0x8F2B, s0  }
0x35: {  	[sflag:s0] =	ssyncadd.remote.s32 $0x1  }
0x36: {  	_ =	sfence.sel $0xFFFF  }
0x37: {  	[dreg:$0x0] =	wrdreg $0xFFFFFFFF;
	(pc) =	sbr.abs _section_cstart, $3  }
0x38: {  	[dreg:$0x1] =	wrdreg $0xFFFFFFFF  }
0x39: {  	_ =	task.clear_ibuf [dreg:s7], $0x2FFFF;
	_ =	strace $0x9FFFFFFF  }
0x3a: {  	(tm) =	ssettm $0x7FFFFFFF  }
0x3b: {  	_ =	shalt  }
tec
execute0_lowered:
.L_overlay_start_1:
0x0: {  	(tag) =	ssettag $0x1  }
0x1: {  	s0 =	srdreg.scid  }
0x2: {  	s1 =	sshll.u32 s0, $0x4  }
0x3: {  	s0 =	stileid.u32;
	s1 =	sand.u32 $0x10, s1  }
0x4: {  	s1 =	sor.u32 s0, s1  }
0x5: {  	s6 =	rddreg [dreg:$0x0];
	s4 =	simm.s32 $0x1;
	s2 =	sshll.u32 s1, $0x7  }
0x6: {  	s7 =	simm.s32 $0x2;
	s12 =	simm.s32 $0x0;
	s1 =	ssub.s32 $0x1000, s2  }
0x7: {  	s8 =	simm.s32 $0x8000;
	s13 =	simm.s32 $0x0;
	s3 =	sand.u32 $0xF80, s1  }
0x8: {  	s9 =	simm.s32 $0x0;
	s5 =	sshrl.u32 s1, $0xC;
	p0 =	sne.s32 s3, $0x0  }
.Ltmp0:
0x9: {  	s1 =	rddreg [dreg:$0x2];
	s4 =	simm.s32 @!p0 $0x0;
	(pc) =	sbr.rel .LBB1_1-.Ltmp0, $4  }
0xa: {  	s11 =	simm.s32 $0x0;
	s3 =	rddreg [dreg:$0x1];
	s5 =	sadd.s32 s4, s5  }
0xb: {  	_ =	strace $0x8000004A;
	s4 =	simm.s32 $0x1;
	s5 =	smul.u32 $0xC8, s5  }
0xc: {  	s6 =	sadd.s32 $0x800, s6;
	s10 =	smov.u32 s2;
	[sflag:s4] =	ssyncpa.u1 $0x0  }
0xd: {  	p0 =	por $0x0, $0x0;
	[sflag:s7] =	ssyncpa.u1 $0x0;
	s7 =	sor.u32 $0x1, s5  }
.LBB1_4:
0xe: {  	s16 =	sshll.u32 s13, $0x3;
	s17 =	sand.u32 $0x78, s13  }
0xf: {  	s30 =	sand.u32 $0x7E00, s13;
	s12 =	sshll.u32 s12, $0xF;
	s16 =	sand.u32 $0xC00, s16  }
0x10: {  	[tilespmem:s15+$0x810 ss:$0x81] =	vst.msk $0xffff, v2;
	s31 =	sand.u32 $0x7, s13;
	s16 =	sor.u32 s17, s16;
	s17 =	sadd.s32 s3, s30  }
0x11: {  	[tilespmem:s15+$0x1020 ss:$0x81] =	vst.msk $0xffff, v0;
	s13 =	sshll.u32 s31, $0x12;
	s12 =	sadd.s32 s12, s17;
	s16 =	sshrl.u32 s16, $0x3  }
0x12: {  	[tilespmem:s15+$0x0 ss:$0x81] =	vst.msk $0xffff, v1;
	s13 =	sor.u32 $0x400, s13;
	s12 =	sadd.s32 s16, s12  }
0x13: {  	[hbm4b:s12+s13] =	stream.strided.scatter [tilespmem:s14], [sflag:$0x2], $0x2000, s8, s13, $0x20;
	[tilespmem:$0x8080] =	vst v63  }
.LBB1_5:
0x14: {  	s14 =	sadd.s32 $0x1, s9  }
0x15: {  	s12 =	sadd.s32 $0x1000, s10;
	s16 =	smov.u32 s10;
	p2 =	sgt.s32 s14, $0xC7  }
0x16: {  	s16 =	smov.u32 @p2 s12  }
0x17: {  	s14 =	simm.s32 @p2 $0x0;
	p2 =	sgt.s32 s16, $0xFFF  }
0x18: {  	s16 =	smov.u32 @p2 s2;
	p2 =	sne.s32 s11, s7  }
.Ltmp1:
0x19: {  	p1 =	slt.u32 s11, $0x2;
	(pc) =	sbr.rel @!p2 .LBB1_6-.Ltmp1, $4  }
0x1a: {  	s15 =	simm.s32 @!p1 $0x2  }
0x1b: {  	s13 =	smov.u32 s10;
	p0 =	por !p0, !p0;
	_ =	swait.ge @!p1 [sflag:s15], $0x2000  }
0x1c: {  	s12 =	smov.u32 s9;
	[sflag:s15] =	ssyncset.done @!p1 $0x0;
	s9 =	smov.u32 s14  }
0x1d: {  	s11 =	sadd.s32 $0x1, s11;
	[sflag:s15] =	ssyncadd.s32 @!p1 $0xFFFFE000;
	s10 =	smov.u32 s16  }
.LBB1_1:
0x1e: {  	p1 =	sge.u32 s11, s5  }
0x1f: {  	s14 =	sand.u32 @!p1 $0x1FFFFFF, s9  }
0x20: {  	s15 =	smulhi.u32 @!p1 $0x147AE15, s14;
	_ =	sdelay $0x1  }
0x21: {  	s15 =	smul.u32 @!p1 $0xC8, s15  }
0x22: {  	s16 =	sxor.u32 @!p1 $0xFFFFFFFF, s11;
	s17 =	smul.u32 @!p1 $0xC80, s10  }
0x23: {  	s31 =	sadd.s32 $0xFFFFFFFF, s11;
	s16 =	sshll.u32 @!p1 s16, $0xD;
	s14 =	ssub.s32 @!p1 s14, s15  }
0x24: {  	s15 =	sand.u32 @!p1 $0x2000, s16;
	s16 =	sadd.s32 @!p1 s6, s17;
	s14 =	sshll.u32 @!p1 s14, $0x4  }
0x25: {  	s17 =	simm.s32 @!p1 $0x6400;
	s14 =	sadd.s32 @!p1 s14, s16;
	s16 =	simm.s32 @!p1 $0x40  }
0x26: {  	[tilespmem:s15], [sflag:$0x1] =	stream.strided.gather @!p1 [hbm4b:s14+s16], $0x2000, s17, s16, $0x38;
	[tilespmem:$0x8080] =	vst v63  }
0x27: {  	p1 =	sge.u32 s31, s5  }
.Ltmp2:
0x28: {  	_ = 	snop;
	(pc) =	sbr.rel @p1 .LBB1_5-.Ltmp2, $1  }
0x29: {  	_ =	sdelay $0x3  }
0x2a: {  	s14 =	simm.s32 $0x1  }
0x2b: {  	_ =	swait.ge [sflag:s4], $0x2000;
	s14 =	simm.s32 @!p0 $0x0  }
0x2c: {  	[sflag:s4] =	ssyncset.done $0x0;
	s15 =	sshll.u32 s14, $0xD  }
0x2d: {  	[sflag:s4] =	ssyncadd.s32 $0xFFFFE000;
	s18 =	sor.u32 $0x20, s15  }
0x2e: {  	s14 =	smul.u32 $0x8100, s14;
	v3 =	vld [tilespmem:s18+$0x10]  }
0x2f: {  	s30 =	sand.u32 $0x1, s11;
	v2 =	vld [tilespmem:s18+$0xFFFFFFF0]  }
0x30: {  	s15 =	smul.u32 $0x8100, s30;
	s14 =	sshrl.u32 s14, $0x2;
	v0 =	vld [tilespmem:s18+$0x0]  }
0x31: {  	v1 =	vld [tilespmem:s18+$0xFFFFFFE0];
	s16 =	sor.u32 $0x4000, s14  }
0x32: {  	s31 =	sshrl.u32 s15, $0x2;
	s15 =	sadd.s32 $0x0, s16  }
0x33: {  	s17 =	simm.s32 $0x4;
	s18 =	sadd.s32 $0x40, s18;
	s14 =	sor.u32 $0x4000, s31;
	[tilespmem:s15+$0x1830 ss:$0x81] =	vst.msk $0xffff, v3  }
.LBB1_3:
0x34: {  	v3 =	vld [tilespmem:s18+$0x10];
	p1 =	sne.s32 s17, $0x1FC;
	[tilespmem:s15+$0x810 ss:$0x81] =	vst.msk $0xffff, v2;
	s19 =	smov.u32 s17;
	s17 =	sadd.s32 $0x4, s17  }
.Ltmp3:
0x35: {  	v2 =	vld [tilespmem:s18+$0xFFFFFFF0];
	[tilespmem:s15+$0x1020 ss:$0x81] =	vst.msk $0xffff, v0;
	(pc) =	sbr.rel @p1 .LBB1_3-.Ltmp3, $4  }
0x36: {  	v0 =	vld [tilespmem:s18+$0x0];
	[tilespmem:s15+$0x0 ss:$0x81] =	vst.msk $0xffff, v1  }
0x37: {  	s15 =	sshra.s32 s19, $0x2;
	v1 =	vld [tilespmem:s18+$0xFFFFFFE0]  }
0x38: {  	s15 =	sadd.s32 s15, s16  }
0x39: {  	s18 =	sadd.s32 $0x40, s18;
	[tilespmem:s15+$0x1830 ss:$0x81] =	vst.msk $0xffff, v3  }
.Ltmp4:
0x3a: {  	_ = 	snop;
	(pc) =	sbr.rel .LBB1_4-.Ltmp4, $1  }
0x3b: {  	_ =	sdelay $0x3  }
.LBB1_6:
0x3c: {  	_ =	sfence.sel $0x180000  }
0x3d: {  	s2 =	simm.s32 $0x1;
	[bflag:$0x0] =	sbarrier.arrive $0xFFFF  }
0x3e: {  	s31 =	simm.s32 $0x2;
	[sflag:s2] =	ssyncpa.u1 $0x1  }
0x3f: {  	[sflag:s31] =	ssyncpa.u1 $0x1  }
0x40: {  	p0 =	sne.s32 s0, $0x0;
	_ =	strace $0x9000004A  }
0x41: {  	s0 =	sadd.s32 @!p0 $0x100000, s1;
	[bflag:$0x2] =	sbarrier.arrive $0xFFFF  }
0x42: {  	[sflag:s0] =	ssyncadd.tile.s32 @!p0 $0x1;
	_ =	shalt  }
.Lfunc_end1:
_tile_overlayer_lowered:
.L_overlay_start_2:
0x43: {  	(tag) =	ssettag $0x2  }
0x44: {  	s0 =	rddreg [dreg:$0x0];
	s2 =	stileid.u32  }
0x45: {  	s1 =	rddreg [dreg:$0x1];
	p0 =	sne.s32 s2, $0x0  }
0x46: {  	s3 =	rddreg [dreg:$0x2];
	[bflag:$0x3] =	sbarrier.arrive $0xFFFF;
	s2 =	simm.s32 @!p0 $0x1C01  }
0x47: {  	[timem:s3], [sflag:s2] =	dma.local @!p0 [hbm:s0], s1  }
0x48: {  	s0 =	simm.s32 @!p0 $0x1  }
0x49: {  	_ =	swait.ge @!p0 [sflag:s0], s1  }
0x4a: {  	s1 =	ssub.s32 @!p0 $0x0, s1;
	[sflag:s0] =	ssyncset.done @!p0 $0x0  }
0x4b: {  	[sflag:s0] =	ssyncadd.s32 @!p0 s1  }
0x4c: {  	[bflag:$0x3] =	sbarrier.arrive $0xFFFF  }
0x4d: {  	_ =	shalt  }

</sc_bundles>
